<compile_context>
chip_gen: v7x
topology: tpu7x:2x2x1
jax: 0.10.2.dev20260603
libtpu: 0.0.44.dev20260713+nightly
codegen_flags: <defaults>
</compile_context>

<pallas_src>
import jax
import jax.numpy as jnp
from jax import lax
from jax.experimental import pallas as pl
from jax.experimental.pallas import tpu as pltpu
from jax.experimental.pallas import tpu_sc as plsc

NC = 2
NS = 16
NW = NC * NS

NF = 16384
K = 26
D = 32
B = NF * K
SLABS = 4
BS = B // SLABS
BPW = BS // NW
C = 832
NCHUNK = BPW // C


def _make_body(slab):
    def _body(feat_hbm, table_hbm, out_hbm, idx_v, buf_v, g0, g1, w0, w1):
        wid = lax.axis_index("s") * NC + lax.axis_index("c")
        gbase = slab * BS + wid * BPW
        base = wid * BPW

        pltpu.sync_copy(feat_hbm.at[pl.ds(gbase, BPW)], idx_v)

        gsem = (g0, g1)
        wsem = (w0, w1)

        def _gather_args(c, b):
            return (table_hbm.at[idx_v.at[pl.ds(c * C, C)]], buf_v.at[b],
                    gsem[b])

        def _write_args(c, b):
            return (buf_v.at[b], out_hbm.at[pl.ds(base + c * C, C)], wsem[b])

        pltpu.async_copy(*_gather_args(0, 0))
        for c in range(NCHUNK):
            b = c & 1
            if c + 1 < NCHUNK:
                if c >= 1:
                    pltpu.make_async_copy(*_write_args(c - 1, 1 - b)).wait()
                pltpu.async_copy(*_gather_args(c + 1, 1 - b))
            pltpu.make_async_copy(*_gather_args(c, b)).wait()
            pltpu.async_copy(*_write_args(c, b))
        pltpu.make_async_copy(*_write_args(NCHUNK - 2, (NCHUNK - 2) & 1)).wait()
        pltpu.make_async_copy(*_write_args(NCHUNK - 1, (NCHUNK - 1) & 1)).wait()

    return _body


@jax.jit
def _lookup(feats, table):
    mesh = plsc.VectorSubcoreMesh(core_axis_name="c", subcore_axis_name="s")
    outs = []
    for s in range(SLABS):
        o = pl.kernel(
            _make_body(s),
            out_type=jax.ShapeDtypeStruct((BS, D), jnp.float32),
            mesh=mesh,
            compiler_params=pltpu.CompilerParams(use_tc_tiling_on_sc=False),
            scratch_types=[
                pltpu.VMEM((BPW,), jnp.int32),
                pltpu.VMEM((2, C, D), jnp.float32),
                pltpu.SemaphoreType.DMA,
                pltpu.SemaphoreType.DMA,
                pltpu.SemaphoreType.DMA,
                pltpu.SemaphoreType.DMA,
            ],
        )(feats, table)
        outs.append(o.reshape(NF // SLABS, K, D))
    return jnp.concatenate(outs, axis=0)


def kernel(features, table):
    feats = features.reshape(-1).astype(jnp.int32)
    t = table.at[0].set(0.0)
    return _lookup(feats, t)

# --- scband reference (transcript-rebuilt; emitter-appended) ---
"""Pipeline reference for scband-one-hot-encoding-28432683499858 (READ-ONLY COPY).

The authoritative reference and input builder live on the scoring server;
editing this copy changes nothing except your own understanding.
"""

import jax, jax.numpy as jnp
import numpy as np


def setup_inputs(seed: int = 0) -> dict:
    key = jax.random.key(seed)
    k1, k2 = jax.random.split(key)
    features = jax.random.randint(k1, (16384, 26), 0, 100000)
    table = jax.random.normal(k2, (100001, 32), dtype=jnp.float32)
    return {"features": features, "table": table}


def reference(features, table):
    # nn.Embedding(z_max + 1, n_embedding, padding_idx=0):
    # row 0 is the padding row and always yields zeros.
    t = table.at[0].set(0.0)
    return jnp.take(t, features, axis=0)

if __name__ == "__main__":
    import jax
    _d = setup_inputs()
    print(jax.jit(kernel)(*tuple(_d.values())))

</pallas_src>

<mosaic_0001>
#map = affine_map<(d0, d1) -> (0)>
#map1 = affine_map<(d0, d1) -> (0, 0)>
module attributes {stable_mosaic.version = 14 : i64} {
  func.func @_body(%arg0: i32, %arg1: i32, %arg2: memref<425984xi32, #tpu.memory_space<hbm>>, %arg3: memref<100001x32xf32, #tpu.memory_space<hbm>>, %arg4: memref<106496x32xf32, #tpu.memory_space<hbm>>, %arg5: memref<3328xi32, #tpu.memory_space<vmem>>, %arg6: memref<2x832x32xf32, #tpu.memory_space<vmem>>, %arg7: memref<!tpu.dma_semaphore, #tpu.memory_space<semaphore_mem>>, %arg8: memref<!tpu.dma_semaphore, #tpu.memory_space<semaphore_mem>>, %arg9: memref<!tpu.dma_semaphore, #tpu.memory_space<semaphore_mem>>, %arg10: memref<!tpu.dma_semaphore, #tpu.memory_space<semaphore_mem>>) attributes {dimension_semantics = [#tpu.dimension_semantics<core_parallel>, #tpu.dimension_semantics<subcore_parallel>], iteration_bounds = array<i64: 2, 16>, scalar_prefetch = 0 : i64, scratch_operands = 6 : i64, tpu.core_type = #tpu.core_type<sc_vector_subcore>, window_params = [{transform_indices = #map}, {transform_indices = #map1}, {transform_indices = #map1}]} {
    %mul3A = arith.constant 2 : i32
    %mul3A_0 = arith.muli %arg1, %mul3A : i32
    %add3A = arith.addi %mul3A_0, %arg0 : i32
    %mul3A_1 = arith.constant 3328 : i32
    %mul3A_2 = arith.muli %add3A, %mul3A_1 : i32
    %add3A_3 = arith.constant 319488 : i32
    %add3A_4 = arith.addi %add3A_3, %mul3A_2 : i32
    %mul3A_5 = arith.constant 3328 : i32
    %mul3A_6 = arith.muli %add3A, %mul3A_5 : i32
    "tpu.region"() ({
      %run_scoped3A = tpu.sem_alloc : memref<!tpu.dma_semaphore, #tpu.memory_space<semaphore_mem>>
      %dma_start3A_205 = tpu.memref_slice %arg2[%add3A_4] : memref<425984xi32, #tpu.memory_space<hbm>> -> memref<3328xi32, #tpu.memory_space<hbm>>
      %dma_start3A_206 = tpu.memref_slice %arg2[%add3A_4] : memref<425984xi32, #tpu.memory_space<hbm>> -> memref<3328xi32, #tpu.memory_space<hbm>>
      tpu.enqueue_dma source(%dma_start3A_206 : memref<3328xi32, #tpu.memory_space<hbm>>) target(%arg5 : memref<3328xi32, #tpu.memory_space<vmem>>) target_semaphore(%run_scoped3A : memref<!tpu.dma_semaphore, #tpu.memory_space<semaphore_mem>>)
      %dma_wait3A_207 = tpu.memref_slice %arg2[%add3A_4] : memref<425984xi32, #tpu.memory_space<hbm>> -> memref<3328xi32, #tpu.memory_space<hbm>>
      %dma_wait3A_208 = tpu.memref_slice %arg2[%add3A_4] : memref<425984xi32, #tpu.memory_space<hbm>> -> memref<3328xi32, #tpu.memory_space<hbm>>
      tpu.wait_dma2 semaphore(%run_scoped3A : memref<!tpu.dma_semaphore, #tpu.memory_space<semaphore_mem>>) src(%dma_wait3A_208 : memref<3328xi32, #tpu.memory_space<hbm>>) dst(%arg5 : memref<3328xi32, #tpu.memory_space<vmem>>)
      tpu.yield
    }) : () -> ()
    %dma_start3A = arith.constant 0 : i32
    %dma_start3A_7 = arith.constant 0 : i32
    %dma_start3A_8 = arith.constant 0 : i32
    %dma_start3A_9 = tpu.memref_slice %arg6[%dma_start3A, %dma_start3A_7, %dma_start3A_8] : memref<2x832x32xf32, #tpu.memory_space<vmem>> -> memref<1x832x32xf32, #tpu.memory_space<vmem>>
    %dma_start3A_10 = tpu.memref_squeeze %dma_start3A_9 : memref<1x832x32xf32, #tpu.memory_space<vmem>> -> memref<832x32xf32, #tpu.memory_space<vmem>>
    %dma_start3A_11 = arith.constant 0 : i32
    %dma_start3A_12 = tpu.memref_slice %arg5[%dma_start3A_11] : memref<3328xi32, #tpu.memory_space<vmem>> -> memref<832xi32, #tpu.memory_space<vmem>>
    %dma_start3A_13 = arith.constant 0 : i32
    %dma_start3A_14 = arith.constant 0 : i32
    %dma_start3A_15 = tpu.memref_slice %arg3[%dma_start3A_13, %dma_start3A_14] : memref<100001x32xf32, #tpu.memory_space<hbm>> -> memref<100001x32xf32, #tpu.memory_space<hbm>>
    tpu.enqueue_indirect_dma source(%dma_start3A_15 : memref<100001x32xf32, #tpu.memory_space<hbm>>) target(%dma_start3A_10 : memref<832x32xf32, #tpu.memory_space<vmem>>) offsets(%dma_start3A_12 : memref<832xi32, #tpu.memory_space<vmem>>) semaphore(%arg7 : memref<!tpu.dma_semaphore, #tpu.memory_space<semaphore_mem>>)
    %dma_start3A_16 = arith.constant 1 : i32
    %dma_start3A_17 = arith.constant 0 : i32
    %dma_start3A_18 = arith.constant 0 : i32
    %dma_start3A_19 = tpu.memref_slice %arg6[%dma_start3A_16, %dma_start3A_17, %dma_start3A_18] : memref<2x832x32xf32, #tpu.memory_space<vmem>> -> memref<1x832x32xf32, #tpu.memory_space<vmem>>
    %dma_start3A_20 = tpu.memref_squeeze %dma_start3A_19 : memref<1x832x32xf32, #tpu.memory_space<vmem>> -> memref<832x32xf32, #tpu.memory_space<vmem>>
    %dma_start3A_21 = arith.constant 832 : i32
    %dma_start3A_22 = tpu.memref_slice %arg5[%dma_start3A_21] : memref<3328xi32, #tpu.memory_space<vmem>> -> memref<832xi32, #tpu.memory_space<vmem>>
    %dma_start3A_23 = arith.constant 0 : i32
    %dma_start3A_24 = arith.constant 0 : i32
    %dma_start3A_25 = tpu.memref_slice %arg3[%dma_start3A_23, %dma_start3A_24] : memref<100001x32xf32, #tpu.memory_space<hbm>> -> memref<100001x32xf32, #tpu.memory_space<hbm>>
    tpu.enqueue_indirect_dma source(%dma_start3A_25 : memref<100001x32xf32, #tpu.memory_space<hbm>>) target(%dma_start3A_20 : memref<832x32xf32, #tpu.memory_space<vmem>>) offsets(%dma_start3A_22 : memref<832xi32, #tpu.memory_space<vmem>>) semaphore(%arg8 : memref<!tpu.dma_semaphore, #tpu.memory_space<semaphore_mem>>)
    %dma_wait3A = arith.constant 0 : i32
    %dma_wait3A_26 = arith.constant 0 : i32
    %dma_wait3A_27 = arith.constant 0 : i32
    %dma_wait3A_28 = tpu.memref_slice %arg6[%dma_wait3A, %dma_wait3A_26, %dma_wait3A_27] : memref<2x832x32xf32, #tpu.memory_space<vmem>> -> memref<1x832x32xf32, #tpu.memory_space<vmem>>
    %dma_wait3A_29 = tpu.memref_squeeze %dma_wait3A_28 : memref<1x832x32xf32, #tpu.memory_space<vmem>> -> memref<832x32xf32, #tpu.memory_space<vmem>>
    %dma_wait3A_30 = arith.constant 0 : i32
    %dma_wait3A_31 = tpu.memref_slice %arg5[%dma_wait3A_30] : memref<3328xi32, #tpu.memory_space<vmem>> -> memref<832xi32, #tpu.memory_space<vmem>>
    %dma_wait3A_32 = arith.constant 0 : i32
    %dma_wait3A_33 = arith.constant 0 : i32
    %dma_wait3A_34 = tpu.memref_slice %arg3[%dma_wait3A_32, %dma_wait3A_33] : memref<100001x32xf32, #tpu.memory_space<hbm>> -> memref<100001x32xf32, #tpu.memory_space<hbm>>
    tpu.wait_indirect_dma semaphore(%arg7 : memref<!tpu.dma_semaphore, #tpu.memory_space<semaphore_mem>>) src(%dma_wait3A_34 : memref<100001x32xf32, #tpu.memory_space<hbm>>) dst(%dma_wait3A_29 : memref<832x32xf32, #tpu.memory_space<vmem>>)
    %add3A_35 = arith.constant 0 : i32
    %add3A_36 = arith.addi %mul3A_6, %add3A_35 : i32
    %dma_start3A_37 = arith.constant 0 : i32
    %dma_start3A_38 = arith.constant 0 : i32
    %dma_start3A_39 = arith.constant 0 : i32
    %dma_start3A_40 = tpu.memref_slice %arg6[%dma_start3A_37, %dma_start3A_38, %dma_start3A_39] : memref<2x832x32xf32, #tpu.memory_space<vmem>> -> memref<1x832x32xf32, #tpu.memory_space<vmem>>
    %dma_start3A_41 = tpu.memref_squeeze %dma_start3A_40 : memref<1x832x32xf32, #tpu.memory_space<vmem>> -> memref<832x32xf32, #tpu.memory_space<vmem>>
    %dma_start3A_42 = arith.constant 0 : i32
    %dma_start3A_43 = tpu.memref_slice %arg4[%add3A_36, %dma_start3A_42] : memref<106496x32xf32, #tpu.memory_space<hbm>> -> memref<832x32xf32, #tpu.memory_space<hbm>>
    %dma_start3A_44 = arith.constant 0 : i32
    %dma_start3A_45 = tpu.memref_slice %arg4[%add3A_36, %dma_start3A_44] : memref<106496x32xf32, #tpu.memory_space<hbm>> -> memref<832x32xf32, #tpu.memory_space<hbm>>
    %dma_start3A_46 = arith.constant 0 : i32
    %dma_start3A_47 = arith.constant 0 : i32
    %dma_start3A_48 = tpu.memref_slice %arg6[%dma_start3A_37, %dma_start3A_46, %dma_start3A_47] : memref<2x832x32xf32, #tpu.memory_space<vmem>> -> memref<1x832x32xf32, #tpu.memory_space<vmem>>
    %dma_start3A_49 = tpu.memref_squeeze %dma_start3A_48 : memref<1x832x32xf32, #tpu.memory_space<vmem>> -> memref<832x32xf32, #tpu.memory_space<vmem>>
    tpu.enqueue_dma source(%dma_start3A_49 : memref<832x32xf32, #tpu.memory_space<vmem>>) target(%dma_start3A_45 : memref<832x32xf32, #tpu.memory_space<hbm>>) target_semaphore(%arg9 : memref<!tpu.dma_semaphore, #tpu.memory_space<semaphore_mem>>)
    %add3A_50 = arith.constant 0 : i32
    %add3A_51 = arith.addi %mul3A_6, %add3A_50 : i32
    %dma_wait3A_52 = arith.constant 0 : i32
    %dma_wait3A_53 = arith.constant 0 : i32
    %dma_wait3A_54 = arith.constant 0 : i32
    %dma_wait3A_55 = tpu.memref_slice %arg6[%dma_wait3A_52, %dma_wait3A_53, %dma_wait3A_54] : memref<2x832x32xf32, #tpu.memory_space<vmem>> -> memref<1x832x32xf32, #tpu.memory_space<vmem>>
    %dma_wait3A_56 = tpu.memref_squeeze %dma_wait3A_55 : memref<1x832x32xf32, #tpu.memory_space<vmem>> -> memref<832x32xf32, #tpu.memory_space<vmem>>
    %dma_wait3A_57 = arith.constant 0 : i32
    %dma_wait3A_58 = tpu.memref_slice %arg4[%add3A_51, %dma_wait3A_57] : memref<106496x32xf32, #tpu.memory_space<hbm>> -> memref<832x32xf32, #tpu.memory_space<hbm>>
    %dma_wait3A_59 = arith.constant 0 : i32
    %dma_wait3A_60 = tpu.memref_slice %arg4[%add3A_51, %dma_wait3A_59] : memref<106496x32xf32, #tpu.memory_space<hbm>> -> memref<832x32xf32, #tpu.memory_space<hbm>>
    %dma_wait3A_61 = arith.constant 0 : i32
    %dma_wait3A_62 = arith.constant 0 : i32
    %dma_wait3A_63 = tpu.memref_slice %arg6[%dma_wait3A_52, %dma_wait3A_61, %dma_wait3A_62] : memref<2x832x32xf32, #tpu.memory_space<vmem>> -> memref<1x832x32xf32, #tpu.memory_space<vmem>>
    %dma_wait3A_64 = tpu.memref_squeeze %dma_wait3A_63 : memref<1x832x32xf32, #tpu.memory_space<vmem>> -> memref<832x32xf32, #tpu.memory_space<vmem>>
    tpu.wait_dma2 semaphore(%arg9 : memref<!tpu.dma_semaphore, #tpu.memory_space<semaphore_mem>>) src(%dma_wait3A_64 : memref<832x32xf32, #tpu.memory_space<vmem>>) dst(%dma_wait3A_60 : memref<832x32xf32, #tpu.memory_space<hbm>>)
    %dma_start3A_65 = arith.constant 0 : i32
    %dma_start3A_66 = arith.constant 0 : i32
    %dma_start3A_67 = arith.constant 0 : i32
    %dma_start3A_68 = tpu.memref_slice %arg6[%dma_start3A_65, %dma_start3A_66, %dma_start3A_67] : memref<2x832x32xf32, #tpu.memory_space<vmem>> -> memref<1x832x32xf32, #tpu.memory_space<vmem>>
    %dma_start3A_69 = tpu.memref_squeeze %dma_start3A_68 : memref<1x832x32xf32, #tpu.memory_space<vmem>> -> memref<832x32xf32, #tpu.memory_space<vmem>>
    %dma_start3A_70 = arith.constant 1664 : i32
    %dma_start3A_71 = tpu.memref_slice %arg5[%dma_start3A_70] : memref<3328xi32, #tpu.memory_space<vmem>> -> memref<832xi32, #tpu.memory_space<vmem>>
    %dma_start3A_72 = arith.constant 0 : i32
    %dma_start3A_73 = arith.constant 0 : i32
    %dma_start3A_74 = tpu.memref_slice %arg3[%dma_start3A_72, %dma_start3A_73] : memref<100001x32xf32, #tpu.memory_space<hbm>> -> memref<100001x32xf32, #tpu.memory_space<hbm>>
    tpu.enqueue_indirect_dma source(%dma_start3A_74 : memref<100001x32xf32, #tpu.memory_space<hbm>>) target(%dma_start3A_69 : memref<832x32xf32, #tpu.memory_space<vmem>>) offsets(%dma_start3A_71 : memref<832xi32, #tpu.memory_space<vmem>>) semaphore(%arg7 : memref<!tpu.dma_semaphore, #tpu.memory_space<semaphore_mem>>)
    %dma_wait3A_75 = arith.constant 1 : i32
    %dma_wait3A_76 = arith.constant 0 : i32
    %dma_wait3A_77 = arith.constant 0 : i32
    %dma_wait3A_78 = tpu.memref_slice %arg6[%dma_wait3A_75, %dma_wait3A_76, %dma_wait3A_77] : memref<2x832x32xf32, #tpu.memory_space<vmem>> -> memref<1x832x32xf32, #tpu.memory_space<vmem>>
    %dma_wait3A_79 = tpu.memref_squeeze %dma_wait3A_78 : memref<1x832x32xf32, #tpu.memory_space<vmem>> -> memref<832x32xf32, #tpu.memory_space<vmem>>
    %dma_wait3A_80 = arith.constant 832 : i32
    %dma_wait3A_81 = tpu.memref_slice %arg5[%dma_wait3A_80] : memref<3328xi32, #tpu.memory_space<vmem>> -> memref<832xi32, #tpu.memory_space<vmem>>
    %dma_wait3A_82 = arith.constant 0 : i32
    %dma_wait3A_83 = arith.constant 0 : i32
    %dma_wait3A_84 = tpu.memref_slice %arg3[%dma_wait3A_82, %dma_wait3A_83] : memref<100001x32xf32, #tpu.memory_space<hbm>> -> memref<100001x32xf32, #tpu.memory_space<hbm>>
    tpu.wait_indirect_dma semaphore(%arg8 : memref<!tpu.dma_semaphore, #tpu.memory_space<semaphore_mem>>) src(%dma_wait3A_84 : memref<100001x32xf32, #tpu.memory_space<hbm>>) dst(%dma_wait3A_79 : memref<832x32xf32, #tpu.memory_space<vmem>>)
    %add3A_85 = arith.constant 832 : i32
    %add3A_86 = arith.addi %mul3A_6, %add3A_85 : i32
    %dma_start3A_87 = arith.constant 1 : i32
    %dma_start3A_88 = arith.constant 0 : i32
    %dma_start3A_89 = arith.constant 0 : i32
    %dma_start3A_90 = tpu.memref_slice %arg6[%dma_start3A_87, %dma_start3A_88, %dma_start3A_89] : memref<2x832x32xf32, #tpu.memory_space<vmem>> -> memref<1x832x32xf32, #tpu.memory_space<vmem>>
    %dma_start3A_91 = tpu.memref_squeeze %dma_start3A_90 : memref<1x832x32xf32, #tpu.memory_space<vmem>> -> memref<832x32xf32, #tpu.memory_space<vmem>>
    %dma_start3A_92 = arith.constant 0 : i32
    %dma_start3A_93 = tpu.memref_slice %arg4[%add3A_86, %dma_start3A_92] : memref<106496x32xf32, #tpu.memory_space<hbm>> -> memref<832x32xf32, #tpu.memory_space<hbm>>
    %dma_start3A_94 = arith.constant 0 : i32
    %dma_start3A_95 = tpu.memref_slice %arg4[%add3A_86, %dma_start3A_94] : memref<106496x32xf32, #tpu.memory_space<hbm>> -> memref<832x32xf32, #tpu.memory_space<hbm>>
    %dma_start3A_96 = arith.constant 0 : i32
    %dma_start3A_97 = arith.constant 0 : i32
    %dma_start3A_98 = tpu.memref_slice %arg6[%dma_start3A_87, %dma_start3A_96, %dma_start3A_97] : memref<2x832x32xf32, #tpu.memory_space<vmem>> -> memref<1x832x32xf32, #tpu.memory_space<vmem>>
    %dma_start3A_99 = tpu.memref_squeeze %dma_start3A_98 : memref<1x832x32xf32, #tpu.memory_space<vmem>> -> memref<832x32xf32, #tpu.memory_space<vmem>>
    tpu.enqueue_dma source(%dma_start3A_99 : memref<832x32xf32, #tpu.memory_space<vmem>>) target(%dma_start3A_95 : memref<832x32xf32, #tpu.memory_space<hbm>>) target_semaphore(%arg10 : memref<!tpu.dma_semaphore, #tpu.memory_space<semaphore_mem>>)
    %add3A_100 = arith.constant 832 : i32
    %add3A_101 = arith.addi %mul3A_6, %add3A_100 : i32
    %dma_wait3A_102 = arith.constant 1 : i32
    %dma_wait3A_103 = arith.constant 0 : i32
    %dma_wait3A_104 = arith.constant 0 : i32
    %dma_wait3A_105 = tpu.memref_slice %arg6[%dma_wait3A_102, %dma_wait3A_103, %dma_wait3A_104] : memref<2x832x32xf32, #tpu.memory_space<vmem>> -> memref<1x832x32xf32, #tpu.memory_space<vmem>>
    %dma_wait3A_106 = tpu.memref_squeeze %dma_wait3A_105 : memref<1x832x32xf32, #tpu.memory_space<vmem>> -> memref<832x32xf32, #tpu.memory_space<vmem>>
    %dma_wait3A_107 = arith.constant 0 : i32
    %dma_wait3A_108 = tpu.memref_slice %arg4[%add3A_101, %dma_wait3A_107] : memref<106496x32xf32, #tpu.memory_space<hbm>> -> memref<832x32xf32, #tpu.memory_space<hbm>>
    %dma_wait3A_109 = arith.constant 0 : i32
    %dma_wait3A_110 = tpu.memref_slice %arg4[%add3A_101, %dma_wait3A_109] : memref<106496x32xf32, #tpu.memory_space<hbm>> -> memref<832x32xf32, #tpu.memory_space<hbm>>
    %dma_wait3A_111 = arith.constant 0 : i32
    %dma_wait3A_112 = arith.constant 0 : i32
    %dma_wait3A_113 = tpu.memref_slice %arg6[%dma_wait3A_102, %dma_wait3A_111, %dma_wait3A_112] : memref<2x832x32xf32, #tpu.memory_space<vmem>> -> memref<1x832x32xf32, #tpu.memory_space<vmem>>
    %dma_wait3A_114 = tpu.memref_squeeze %dma_wait3A_113 : memref<1x832x32xf32, #tpu.memory_space<vmem>> -> memref<832x32xf32, #tpu.memory_space<vmem>>
    tpu.wait_dma2 semaphore(%arg10 : memref<!tpu.dma_semaphore, #tpu.memory_space<semaphore_mem>>) src(%dma_wait3A_114 : memref<832x32xf32, #tpu.memory_space<vmem>>) dst(%dma_wait3A_110 : memref<832x32xf32, #tpu.memory_space<hbm>>)
    %dma_start3A_115 = arith.constant 1 : i32
    %dma_start3A_116 = arith.constant 0 : i32
    %dma_start3A_117 = arith.constant 0 : i32
    %dma_start3A_118 = tpu.memref_slice %arg6[%dma_start3A_115, %dma_start3A_116, %dma_start3A_117] : memref<2x832x32xf32, #tpu.memory_space<vmem>> -> memref<1x832x32xf32, #tpu.memory_space<vmem>>
    %dma_start3A_119 = tpu.memref_squeeze %dma_start3A_118 : memref<1x832x32xf32, #tpu.memory_space<vmem>> -> memref<832x32xf32, #tpu.memory_space<vmem>>
    %dma_start3A_120 = arith.constant 2496 : i32
    %dma_start3A_121 = tpu.memref_slice %arg5[%dma_start3A_120] : memref<3328xi32, #tpu.memory_space<vmem>> -> memref<832xi32, #tpu.memory_space<vmem>>
    %dma_start3A_122 = arith.constant 0 : i32
    %dma_start3A_123 = arith.constant 0 : i32
    %dma_start3A_124 = tpu.memref_slice %arg3[%dma_start3A_122, %dma_start3A_123] : memref<100001x32xf32, #tpu.memory_space<hbm>> -> memref<100001x32xf32, #tpu.memory_space<hbm>>
    tpu.enqueue_indirect_dma source(%dma_start3A_124 : memref<100001x32xf32, #tpu.memory_space<hbm>>) target(%dma_start3A_119 : memref<832x32xf32, #tpu.memory_space<vmem>>) offsets(%dma_start3A_121 : memref<832xi32, #tpu.memory_space<vmem>>) semaphore(%arg8 : memref<!tpu.dma_semaphore, #tpu.memory_space<semaphore_mem>>)
    %dma_wait3A_125 = arith.constant 0 : i32
    %dma_wait3A_126 = arith.constant 0 : i32
    %dma_wait3A_127 = arith.constant 0 : i32
    %dma_wait3A_128 = tpu.memref_slice %arg6[%dma_wait3A_125, %dma_wait3A_126, %dma_wait3A_127] : memref<2x832x32xf32, #tpu.memory_space<vmem>> -> memref<1x832x32xf32, #tpu.memory_space<vmem>>
    %dma_wait3A_129 = tpu.memref_squeeze %dma_wait3A_128 : memref<1x832x32xf32, #tpu.memory_space<vmem>> -> memref<832x32xf32, #tpu.memory_space<vmem>>
    %dma_wait3A_130 = arith.constant 1664 : i32
    %dma_wait3A_131 = tpu.memref_slice %arg5[%dma_wait3A_130] : memref<3328xi32, #tpu.memory_space<vmem>> -> memref<832xi32, #tpu.memory_space<vmem>>
    %dma_wait3A_132 = arith.constant 0 : i32
    %dma_wait3A_133 = arith.constant 0 : i32
    %dma_wait3A_134 = tpu.memref_slice %arg3[%dma_wait3A_132, %dma_wait3A_133] : memref<100001x32xf32, #tpu.memory_space<hbm>> -> memref<100001x32xf32, #tpu.memory_space<hbm>>
    tpu.wait_indirect_dma semaphore(%arg7 : memref<!tpu.dma_semaphore, #tpu.memory_space<semaphore_mem>>) src(%dma_wait3A_134 : memref<100001x32xf32, #tpu.memory_space<hbm>>) dst(%dma_wait3A_129 : memref<832x32xf32, #tpu.memory_space<vmem>>)
    %add3A_135 = arith.constant 1664 : i32
    %add3A_136 = arith.addi %mul3A_6, %add3A_135 : i32
    %dma_start3A_137 = arith.constant 0 : i32
    %dma_start3A_138 = arith.constant 0 : i32
    %dma_start3A_139 = arith.constant 0 : i32
    %dma_start3A_140 = tpu.memref_slice %arg6[%dma_start3A_137, %dma_start3A_138, %dma_start3A_139] : memref<2x832x32xf32, #tpu.memory_space<vmem>> -> memref<1x832x32xf32, #tpu.memory_space<vmem>>
    %dma_start3A_141 = tpu.memref_squeeze %dma_start3A_140 : memref<1x832x32xf32, #tpu.memory_space<vmem>> -> memref<832x32xf32, #tpu.memory_space<vmem>>
    %dma_start3A_142 = arith.constant 0 : i32
    %dma_start3A_143 = tpu.memref_slice %arg4[%add3A_136, %dma_start3A_142] : memref<106496x32xf32, #tpu.memory_space<hbm>> -> memref<832x32xf32, #tpu.memory_space<hbm>>
    %dma_start3A_144 = arith.constant 0 : i32
    %dma_start3A_145 = tpu.memref_slice %arg4[%add3A_136, %dma_start3A_144] : memref<106496x32xf32, #tpu.memory_space<hbm>> -> memref<832x32xf32, #tpu.memory_space<hbm>>
    %dma_start3A_146 = arith.constant 0 : i32
    %dma_start3A_147 = arith.constant 0 : i32
    %dma_start3A_148 = tpu.memref_slice %arg6[%dma_start3A_137, %dma_start3A_146, %dma_start3A_147] : memref<2x832x32xf32, #tpu.memory_space<vmem>> -> memref<1x832x32xf32, #tpu.memory_space<vmem>>
    %dma_start3A_149 = tpu.memref_squeeze %dma_start3A_148 : memref<1x832x32xf32, #tpu.memory_space<vmem>> -> memref<832x32xf32, #tpu.memory_space<vmem>>
    tpu.enqueue_dma source(%dma_start3A_149 : memref<832x32xf32, #tpu.memory_space<vmem>>) target(%dma_start3A_145 : memref<832x32xf32, #tpu.memory_space<hbm>>) target_semaphore(%arg9 : memref<!tpu.dma_semaphore, #tpu.memory_space<semaphore_mem>>)
    %dma_wait3A_150 = arith.constant 1 : i32
    %dma_wait3A_151 = arith.constant 0 : i32
    %dma_wait3A_152 = arith.constant 0 : i32
    %dma_wait3A_153 = tpu.memref_slice %arg6[%dma_wait3A_150, %dma_wait3A_151, %dma_wait3A_152] : memref<2x832x32xf32, #tpu.memory_space<vmem>> -> memref<1x832x32xf32, #tpu.memory_space<vmem>>
    %dma_wait3A_154 = tpu.memref_squeeze %dma_wait3A_153 : memref<1x832x32xf32, #tpu.memory_space<vmem>> -> memref<832x32xf32, #tpu.memory_space<vmem>>
    %dma_wait3A_155 = arith.constant 2496 : i32
    %dma_wait3A_156 = tpu.memref_slice %arg5[%dma_wait3A_155] : memref<3328xi32, #tpu.memory_space<vmem>> -> memref<832xi32, #tpu.memory_space<vmem>>
    %dma_wait3A_157 = arith.constant 0 : i32
    %dma_wait3A_158 = arith.constant 0 : i32
    %dma_wait3A_159 = tpu.memref_slice %arg3[%dma_wait3A_157, %dma_wait3A_158] : memref<100001x32xf32, #tpu.memory_space<hbm>> -> memref<100001x32xf32, #tpu.memory_space<hbm>>
    tpu.wait_indirect_dma semaphore(%arg8 : memref<!tpu.dma_semaphore, #tpu.memory_space<semaphore_mem>>) src(%dma_wait3A_159 : memref<100001x32xf32, #tpu.memory_space<hbm>>) dst(%dma_wait3A_154 : memref<832x32xf32, #tpu.memory_space<vmem>>)
    %add3A_160 = arith.constant 2496 : i32
    %add3A_161 = arith.addi %mul3A_6, %add3A_160 : i32
    %dma_start3A_162 = arith.constant 1 : i32
    %dma_start3A_163 = arith.constant 0 : i32
    %dma_start3A_164 = arith.constant 0 : i32
    %dma_start3A_165 = tpu.memref_slice %arg6[%dma_start3A_162, %dma_start3A_163, %dma_start3A_164] : memref<2x832x32xf32, #tpu.memory_space<vmem>> -> memref<1x832x32xf32, #tpu.memory_space<vmem>>
    %dma_start3A_166 = tpu.memref_squeeze %dma_start3A_165 : memref<1x832x32xf32, #tpu.memory_space<vmem>> -> memref<832x32xf32, #tpu.memory_space<vmem>>
    %dma_start3A_167 = arith.constant 0 : i32
    %dma_start3A_168 = tpu.memref_slice %arg4[%add3A_161, %dma_start3A_167] : memref<106496x32xf32, #tpu.memory_space<hbm>> -> memref<832x32xf32, #tpu.memory_space<hbm>>
    %dma_start3A_169 = arith.constant 0 : i32
    %dma_start3A_170 = tpu.memref_slice %arg4[%add3A_161, %dma_start3A_169] : memref<106496x32xf32, #tpu.memory_space<hbm>> -> memref<832x32xf32, #tpu.memory_space<hbm>>
    %dma_start3A_171 = arith.constant 0 : i32
    %dma_start3A_172 = arith.constant 0 : i32
    %dma_start3A_173 = tpu.memref_slice %arg6[%dma_start3A_162, %dma_start3A_171, %dma_start3A_172] : memref<2x832x32xf32, #tpu.memory_space<vmem>> -> memref<1x832x32xf32, #tpu.memory_space<vmem>>
    %dma_start3A_174 = tpu.memref_squeeze %dma_start3A_173 : memref<1x832x32xf32, #tpu.memory_space<vmem>> -> memref<832x32xf32, #tpu.memory_space<vmem>>
    tpu.enqueue_dma source(%dma_start3A_174 : memref<832x32xf32, #tpu.memory_space<vmem>>) target(%dma_start3A_170 : memref<832x32xf32, #tpu.memory_space<hbm>>) target_semaphore(%arg10 : memref<!tpu.dma_semaphore, #tpu.memory_space<semaphore_mem>>)
    %add3A_175 = arith.constant 1664 : i32
    %add3A_176 = arith.addi %mul3A_6, %add3A_175 : i32
    %dma_wait3A_177 = arith.constant 0 : i32
    %dma_wait3A_178 = arith.constant 0 : i32
    %dma_wait3A_179 = arith.constant 0 : i32
    %dma_wait3A_180 = tpu.memref_slice %arg6[%dma_wait3A_177, %dma_wait3A_178, %dma_wait3A_179] : memref<2x832x32xf32, #tpu.memory_space<vmem>> -> memref<1x832x32xf32, #tpu.memory_space<vmem>>
    %dma_wait3A_181 = tpu.memref_squeeze %dma_wait3A_180 : memref<1x832x32xf32, #tpu.memory_space<vmem>> -> memref<832x32xf32, #tpu.memory_space<vmem>>
    %dma_wait3A_182 = arith.constant 0 : i32
    %dma_wait3A_183 = tpu.memref_slice %arg4[%add3A_176, %dma_wait3A_182] : memref<106496x32xf32, #tpu.memory_space<hbm>> -> memref<832x32xf32, #tpu.memory_space<hbm>>
    %dma_wait3A_184 = arith.constant 0 : i32
    %dma_wait3A_185 = tpu.memref_slice %arg4[%add3A_176, %dma_wait3A_184] : memref<106496x32xf32, #tpu.memory_space<hbm>> -> memref<832x32xf32, #tpu.memory_space<hbm>>
    %dma_wait3A_186 = arith.constant 0 : i32
    %dma_wait3A_187 = arith.constant 0 : i32
    %dma_wait3A_188 = tpu.memref_slice %arg6[%dma_wait3A_177, %dma_wait3A_186, %dma_wait3A_187] : memref<2x832x32xf32, #tpu.memory_space<vmem>> -> memref<1x832x32xf32, #tpu.memory_space<vmem>>
    %dma_wait3A_189 = tpu.memref_squeeze %dma_wait3A_188 : memref<1x832x32xf32, #tpu.memory_space<vmem>> -> memref<832x32xf32, #tpu.memory_space<vmem>>
    tpu.wait_dma2 semaphore(%arg9 : memref<!tpu.dma_semaphore, #tpu.memory_space<semaphore_mem>>) src(%dma_wait3A_189 : memref<832x32xf32, #tpu.memory_space<vmem>>) dst(%dma_wait3A_185 : memref<832x32xf32, #tpu.memory_space<hbm>>)
    %add3A_190 = arith.constant 2496 : i32
    %add3A_191 = arith.addi %mul3A_6, %add3A_190 : i32
    %dma_wait3A_192 = arith.constant 1 : i32
    %dma_wait3A_193 = arith.constant 0 : i32
    %dma_wait3A_194 = arith.constant 0 : i32
    %dma_wait3A_195 = tpu.memref_slice %arg6[%dma_wait3A_192, %dma_wait3A_193, %dma_wait3A_194] : memref<2x832x32xf32, #tpu.memory_space<vmem>> -> memref<1x832x32xf32, #tpu.memory_space<vmem>>
    %dma_wait3A_196 = tpu.memref_squeeze %dma_wait3A_195 : memref<1x832x32xf32, #tpu.memory_space<vmem>> -> memref<832x32xf32, #tpu.memory_space<vmem>>
    %dma_wait3A_197 = arith.constant 0 : i32
    %dma_wait3A_198 = tpu.memref_slice %arg4[%add3A_191, %dma_wait3A_197] : memref<106496x32xf32, #tpu.memory_space<hbm>> -> memref<832x32xf32, #tpu.memory_space<hbm>>
    %dma_wait3A_199 = arith.constant 0 : i32
    %dma_wait3A_200 = tpu.memref_slice %arg4[%add3A_191, %dma_wait3A_199] : memref<106496x32xf32, #tpu.memory_space<hbm>> -> memref<832x32xf32, #tpu.memory_space<hbm>>
    %dma_wait3A_201 = arith.constant 0 : i32
    %dma_wait3A_202 = arith.constant 0 : i32
    %dma_wait3A_203 = tpu.memref_slice %arg6[%dma_wait3A_192, %dma_wait3A_201, %dma_wait3A_202] : memref<2x832x32xf32, #tpu.memory_space<vmem>> -> memref<1x832x32xf32, #tpu.memory_space<vmem>>
    %dma_wait3A_204 = tpu.memref_squeeze %dma_wait3A_203 : memref<1x832x32xf32, #tpu.memory_space<vmem>> -> memref<832x32xf32, #tpu.memory_space<vmem>>
    tpu.wait_dma2 semaphore(%arg10 : memref<!tpu.dma_semaphore, #tpu.memory_space<semaphore_mem>>) src(%dma_wait3A_204 : memref<832x32xf32, #tpu.memory_space<vmem>>) dst(%dma_wait3A_200 : memref<832x32xf32, #tpu.memory_space<hbm>>)
    return
  }
}

#map = affine_map<(d0, d1) -> (0)>
#map1 = affine_map<(d0, d1) -> (0, 0)>
module attributes {stable_mosaic.version = 14 : i64} {
  func.func @_body(%arg0: i32, %arg1: i32, %arg2: memref<425984xi32, #tpu.memory_space<hbm>>, %arg3: memref<100001x32xf32, #tpu.memory_space<hbm>>, %arg4: memref<106496x32xf32, #tpu.memory_space<hbm>>, %arg5: memref<3328xi32, #tpu.memory_space<vmem>>, %arg6: memref<2x832x32xf32, #tpu.memory_space<vmem>>, %arg7: memref<!tpu.dma_semaphore, #tpu.memory_space<semaphore_mem>>, %arg8: memref<!tpu.dma_semaphore, #tpu.memory_space<semaphore_mem>>, %arg9: memref<!tpu.dma_semaphore, #tpu.memory_space<semaphore_mem>>, %arg10: memref<!tpu.dma_semaphore, #tpu.memory_space<semaphore_mem>>) attributes {dimension_semantics = [#tpu.dimension_semantics<core_parallel>, #tpu.dimension_semantics<subcore_parallel>], iteration_bounds = array<i64: 2, 16>, scalar_prefetch = 0 : i64, scratch_operands = 6 : i64, tpu.core_type = #tpu.core_type<sc_vector_subcore>, window_params = [{transform_indices = #map}, {transform_indices = #map1}, {transform_indices = #map1}]} {
    %mul3A = arith.constant 2 : i32
    %mul3A_0 = arith.muli %arg1, %mul3A : i32
    %add3A = arith.addi %mul3A_0, %arg0 : i32
    %mul3A_1 = arith.constant 3328 : i32
    %mul3A_2 = arith.muli %add3A, %mul3A_1 : i32
    %add3A_3 = arith.constant 106496 : i32
    %add3A_4 = arith.addi %add3A_3, %mul3A_2 : i32
    %mul3A_5 = arith.constant 3328 : i32
    %mul3A_6 = arith.muli %add3A, %mul3A_5 : i32
    "tpu.region"() ({
      %run_scoped3A = tpu.sem_alloc : memref<!tpu.dma_semaphore, #tpu.memory_space<semaphore_mem>>
      %dma_start3A_205 = tpu.memref_slice %arg2[%add3A_4] : memref<425984xi32, #tpu.memory_space<hbm>> -> memref<3328xi32, #tpu.memory_space<hbm>>
      %dma_start3A_206 = tpu.memref_slice %arg2[%add3A_4] : memref<425984xi32, #tpu.memory_space<hbm>> -> memref<3328xi32, #tpu.memory_space<hbm>>
      tpu.enqueue_dma source(%dma_start3A_206 : memref<3328xi32, #tpu.memory_space<hbm>>) target(%arg5 : memref<3328xi32, #tpu.memory_space<vmem>>) target_semaphore(%run_scoped3A : memref<!tpu.dma_semaphore, #tpu.memory_space<semaphore_mem>>)
      %dma_wait3A_207 = tpu.memref_slice %arg2[%add3A_4] : memref<425984xi32, #tpu.memory_space<hbm>> -> memref<3328xi32, #tpu.memory_space<hbm>>
      %dma_wait3A_208 = tpu.memref_slice %arg2[%add3A_4] : memref<425984xi32, #tpu.memory_space<hbm>> -> memref<3328xi32, #tpu.memory_space<hbm>>
      tpu.wait_dma2 semaphore(%run_scoped3A : memref<!tpu.dma_semaphore, #tpu.memory_space<semaphore_mem>>) src(%dma_wait3A_208 : memref<3328xi32, #tpu.memory_space<hbm>>) dst(%arg5 : memref<3328xi32, #tpu.memory_space<vmem>>)
      tpu.yield
    }) : () -> ()
    %dma_start3A = arith.constant 0 : i32
    %dma_start3A_7 = arith.constant 0 : i32
    %dma_start3A_8 = arith.constant 0 : i32
    %dma_start3A_9 = tpu.memref_slice %arg6[%dma_start3A, %dma_start3A_7, %dma_start3A_8] : memref<2x832x32xf32, #tpu.memory_space<vmem>> -> memref<1x832x32xf32, #tpu.memory_space<vmem>>
    %dma_start3A_10 = tpu.memref_squeeze %dma_start3A_9 : memref<1x832x32xf32, #tpu.memory_space<vmem>> -> memref<832x32xf32, #tpu.memory_space<vmem>>
    %dma_start3A_11 = arith.constant 0 : i32
    %dma_start3A_12 = tpu.memref_slice %arg5[%dma_start3A_11] : memref<3328xi32, #tpu.memory_space<vmem>> -> memref<832xi32, #tpu.memory_space<vmem>>
    %dma_start3A_13 = arith.constant 0 : i32
    %dma_start3A_14 = arith.constant 0 : i32
    %dma_start3A_15 = tpu.memref_slice %arg3[%dma_start3A_13, %dma_start3A_14] : memref<100001x32xf32, #tpu.memory_space<hbm>> -> memref<100001x32xf32, #tpu.memory_space<hbm>>
    tpu.enqueue_indirect_dma source(%dma_start3A_15 : memref<100001x32xf32, #tpu.memory_space<hbm>>) target(%dma_start3A_10 : memref<832x32xf32, #tpu.memory_space<vmem>>) offsets(%dma_start3A_12 : memref<832xi32, #tpu.memory_space<vmem>>) semaphore(%arg7 : memref<!tpu.dma_semaphore, #tpu.memory_space<semaphore_mem>>)
    %dma_start3A_16 = arith.constant 1 : i32
    %dma_start3A_17 = arith.constant 0 : i32
    %dma_start3A_18 = arith.constant 0 : i32
    %dma_start3A_19 = tpu.memref_slice %arg6[%dma_start3A_16, %dma_start3A_17, %dma_start3A_18] : memref<2x832x32xf32, #tpu.memory_space<vmem>> -> memref<1x832x32xf32, #tpu.memory_space<vmem>>
    %dma_start3A_20 = tpu.memref_squeeze %dma_start3A_19 : memref<1x832x32xf32, #tpu.memory_space<vmem>> -> memref<832x32xf32, #tpu.memory_space<vmem>>
    %dma_start3A_21 = arith.constant 832 : i32
    %dma_start3A_22 = tpu.memref_slice %arg5[%dma_start3A_21] : memref<3328xi32, #tpu.memory_space<vmem>> -> memref<832xi32, #tpu.memory_space<vmem>>
    %dma_start3A_23 = arith.constant 0 : i32
    %dma_start3A_24 = arith.constant 0 : i32
    %dma_start3A_25 = tpu.memref_slice %arg3[%dma_start3A_23, %dma_start3A_24] : memref<100001x32xf32, #tpu.memory_space<hbm>> -> memref<100001x32xf32, #tpu.memory_space<hbm>>
    tpu.enqueue_indirect_dma source(%dma_start3A_25 : memref<100001x32xf32, #tpu.memory_space<hbm>>) target(%dma_start3A_20 : memref<832x32xf32, #tpu.memory_space<vmem>>) offsets(%dma_start3A_22 : memref<832xi32, #tpu.memory_space<vmem>>) semaphore(%arg8 : memref<!tpu.dma_semaphore, #tpu.memory_space<semaphore_mem>>)
    %dma_wait3A = arith.constant 0 : i32
    %dma_wait3A_26 = arith.constant 0 : i32
    %dma_wait3A_27 = arith.constant 0 : i32
    %dma_wait3A_28 = tpu.memref_slice %arg6[%dma_wait3A, %dma_wait3A_26, %dma_wait3A_27] : memref<2x832x32xf32, #tpu.memory_space<vmem>> -> memref<1x832x32xf32, #tpu.memory_space<vmem>>
    %dma_wait3A_29 = tpu.memref_squeeze %dma_wait3A_28 : memref<1x832x32xf32, #tpu.memory_space<vmem>> -> memref<832x32xf32, #tpu.memory_space<vmem>>
    %dma_wait3A_30 = arith.constant 0 : i32
    %dma_wait3A_31 = tpu.memref_slice %arg5[%dma_wait3A_30] : memref<3328xi32, #tpu.memory_space<vmem>> -> memref<832xi32, #tpu.memory_space<vmem>>
    %dma_wait3A_32 = arith.constant 0 : i32
    %dma_wait3A_33 = arith.constant 0 : i32
    %dma_wait3A_34 = tpu.memref_slice %arg3[%dma_wait3A_32, %dma_wait3A_33] : memref<100001x32xf32, #tpu.memory_space<hbm>> -> memref<100001x32xf32, #tpu.memory_space<hbm>>
    tpu.wait_indirect_dma semaphore(%arg7 : memref<!tpu.dma_semaphore, #tpu.memory_space<semaphore_mem>>) src(%dma_wait3A_34 : memref<100001x32xf32, #tpu.memory_space<hbm>>) dst(%dma_wait3A_29 : memref<832x32xf32, #tpu.memory_space<vmem>>)
    %add3A_35 = arith.constant 0 : i32
    %add3A_36 = arith.addi %mul3A_6, %add3A_35 : i32
    %dma_start3A_37 = arith.constant 0 : i32
    %dma_start3A_38 = arith.constant 0 : i32
    %dma_start3A_39 = arith.constant 0 : i32
    %dma_start3A_40 = tpu.memref_slice %arg6[%dma_start3A_37, %dma_start3A_38, %dma_start3A_39] : memref<2x832x32xf32, #tpu.memory_space<vmem>> -> memref<1x832x32xf32, #tpu.memory_space<vmem>>
    %dma_start3A_41 = tpu.memref_squeeze %dma_start3A_40 : memref<1x832x32xf32, #tpu.memory_space<vmem>> -> memref<832x32xf32, #tpu.memory_space<vmem>>
    %dma_start3A_42 = arith.constant 0 : i32
    %dma_start3A_43 = tpu.memref_slice %arg4[%add3A_36, %dma_start3A_42] : memref<106496x32xf32, #tpu.memory_space<hbm>> -> memref<832x32xf32, #tpu.memory_space<hbm>>
    %dma_start3A_44 = arith.constant 0 : i32
    %dma_start3A_45 = tpu.memref_slice %arg4[%add3A_36, %dma_start3A_44] : memref<106496x32xf32, #tpu.memory_space<hbm>> -> memref<832x32xf32, #tpu.memory_space<hbm>>
    %dma_start3A_46 = arith.constant 0 : i32
    %dma_start3A_47 = arith.constant 0 : i32
    %dma_start3A_48 = tpu.memref_slice %arg6[%dma_start3A_37, %dma_start3A_46, %dma_start3A_47] : memref<2x832x32xf32, #tpu.memory_space<vmem>> -> memref<1x832x32xf32, #tpu.memory_space<vmem>>
    %dma_start3A_49 = tpu.memref_squeeze %dma_start3A_48 : memref<1x832x32xf32, #tpu.memory_space<vmem>> -> memref<832x32xf32, #tpu.memory_space<vmem>>
    tpu.enqueue_dma source(%dma_start3A_49 : memref<832x32xf32, #tpu.memory_space<vmem>>) target(%dma_start3A_45 : memref<832x32xf32, #tpu.memory_space<hbm>>) target_semaphore(%arg9 : memref<!tpu.dma_semaphore, #tpu.memory_space<semaphore_mem>>)
    %add3A_50 = arith.constant 0 : i32
    %add3A_51 = arith.addi %mul3A_6, %add3A_50 : i32
    %dma_wait3A_52 = arith.constant 0 : i32
    %dma_wait3A_53 = arith.constant 0 : i32
    %dma_wait3A_54 = arith.constant 0 : i32
    %dma_wait3A_55 = tpu.memref_slice %arg6[%dma_wait3A_52, %dma_wait3A_53, %dma_wait3A_54] : memref<2x832x32xf32, #tpu.memory_space<vmem>> -> memref<1x832x32xf32, #tpu.memory_space<vmem>>
    %dma_wait3A_56 = tpu.memref_squeeze %dma_wait3A_55 : memref<1x832x32xf32, #tpu.memory_space<vmem>> -> memref<832x32xf32, #tpu.memory_space<vmem>>
    %dma_wait3A_57 = arith.constant 0 : i32
    %dma_wait3A_58 = tpu.memref_slice %arg4[%add3A_51, %dma_wait3A_57] : memref<106496x32xf32, #tpu.memory_space<hbm>> -> memref<832x32xf32, #tpu.memory_space<hbm>>
    %dma_wait3A_59 = arith.constant 0 : i32
    %dma_wait3A_60 = tpu.memref_slice %arg4[%add3A_51, %dma_wait3A_59] : memref<106496x32xf32, #tpu.memory_space<hbm>> -> memref<832x32xf32, #tpu.memory_space<hbm>>
    %dma_wait3A_61 = arith.constant 0 : i32
    %dma_wait3A_62 = arith.constant 0 : i32
    %dma_wait3A_63 = tpu.memref_slice %arg6[%dma_wait3A_52, %dma_wait3A_61, %dma_wait3A_62] : memref<2x832x32xf32, #tpu.memory_space<vmem>> -> memref<1x832x32xf32, #tpu.memory_space<vmem>>
    %dma_wait3A_64 = tpu.memref_squeeze %dma_wait3A_63 : memref<1x832x32xf32, #tpu.memory_space<vmem>> -> memref<832x32xf32, #tpu.memory_space<vmem>>
    tpu.wait_dma2 semaphore(%arg9 : memref<!tpu.dma_semaphore, #tpu.memory_space<semaphore_mem>>) src(%dma_wait3A_64 : memref<832x32xf32, #tpu.memory_space<vmem>>) dst(%dma_wait3A_60 : memref<832x32xf32, #tpu.memory_space<hbm>>)
    %dma_start3A_65 = arith.constant 0 : i32
    %dma_start3A_66 = arith.constant 0 : i32
    %dma_start3A_67 = arith.constant 0 : i32
    %dma_start3A_68 = tpu.memref_slice %arg6[%dma_start3A_65, %dma_start3A_66, %dma_start3A_67] : memref<2x832x32xf32, #tpu.memory_space<vmem>> -> memref<1x832x32xf32, #tpu.memory_space<vmem>>
    %dma_start3A_69 = tpu.memref_squeeze %dma_start3A_68 : memref<1x832x32xf32, #tpu.memory_space<vmem>> -> memref<832x32xf32, #tpu.memory_space<vmem>>
    %dma_start3A_70 = arith.constant 1664 : i32
    %dma_start3A_71 = tpu.memref_slice %arg5[%dma_start3A_70] : memref<3328xi32, #tpu.memory_space<vmem>> -> memref<832xi32, #tpu.memory_space<vmem>>
    %dma_start3A_72 = arith.constant 0 : i32
    %dma_start3A_73 = arith.constant 0 : i32
    %dma_start3A_74 = tpu.memref_slice %arg3[%dma_start3A_72, %dma_start3A_73] : memref<100001x32xf32, #tpu.memory_space<hbm>> -> memref<100001x32xf32, #tpu.memory_space<hbm>>
    tpu.enqueue_indirect_dma source(%dma_start3A_74 : memref<100001x32xf32, #tpu.memory_space<hbm>>) target(%dma_start3A_69 : memref<832x32xf32, #tpu.memory_space<vmem>>) offsets(%dma_start3A_71 : memref<832xi32, #tpu.memory_space<vmem>>) semaphore(%arg7 : memref<!tpu.dma_semaphore, #tpu.memory_space<semaphore_mem>>)
    %dma_wait3A_75 = arith.constant 1 : i32
    %dma_wait3A_76 = arith.constant 0 : i32
    %dma_wait3A_77 = arith.constant 0 : i32
    %dma_wait3A_78 = tpu.memref_slice %arg6[%dma_wait3A_75, %dma_wait3A_76, %dma_wait3A_77] : memref<2x832x32xf32, #tpu.memory_space<vmem>> -> memref<1x832x32xf32, #tpu.memory_space<vmem>>
    %dma_wait3A_79 = tpu.memref_squeeze %dma_wait3A_78 : memref<1x832x32xf32, #tpu.memory_space<vmem>> -> memref<832x32xf32, #tpu.memory_space<vmem>>
    %dma_wait3A_80 = arith.constant 832 : i32
    %dma_wait3A_81 = tpu.memref_slice %arg5[%dma_wait3A_80] : memref<3328xi32, #tpu.memory_space<vmem>> -> memref<832xi32, #tpu.memory_space<vmem>>
    %dma_wait3A_82 = arith.constant 0 : i32
    %dma_wait3A_83 = arith.constant 0 : i32
    %dma_wait3A_84 = tpu.memref_slice %arg3[%dma_wait3A_82, %dma_wait3A_83] : memref<100001x32xf32, #tpu.memory_space<hbm>> -> memref<100001x32xf32, #tpu.memory_space<hbm>>
    tpu.wait_indirect_dma semaphore(%arg8 : memref<!tpu.dma_semaphore, #tpu.memory_space<semaphore_mem>>) src(%dma_wait3A_84 : memref<100001x32xf32, #tpu.memory_space<hbm>>) dst(%dma_wait3A_79 : memref<832x32xf32, #tpu.memory_space<vmem>>)
    %add3A_85 = arith.constant 832 : i32
    %add3A_86 = arith.addi %mul3A_6, %add3A_85 : i32
    %dma_start3A_87 = arith.constant 1 : i32
    %dma_start3A_88 = arith.constant 0 : i32
    %dma_start3A_89 = arith.constant 0 : i32
    %dma_start3A_90 = tpu.memref_slice %arg6[%dma_start3A_87, %dma_start3A_88, %dma_start3A_89] : memref<2x832x32xf32, #tpu.memory_space<vmem>> -> memref<1x832x32xf32, #tpu.memory_space<vmem>>
    %dma_start3A_91 = tpu.memref_squeeze %dma_start3A_90 : memref<1x832x32xf32, #tpu.memory_space<vmem>> -> memref<832x32xf32, #tpu.memory_space<vmem>>
    %dma_start3A_92 = arith.constant 0 : i32
    %dma_start3A_93 = tpu.memref_slice %arg4[%add3A_86, %dma_start3A_92] : memref<106496x32xf32, #tpu.memory_space<hbm>> -> memref<832x32xf32, #tpu.memory_space<hbm>>
    %dma_start3A_94 = arith.constant 0 : i32
    %dma_start3A_95 = tpu.memref_slice %arg4[%add3A_86, %dma_start3A_94] : memref<106496x32xf32, #tpu.memory_space<hbm>> -> memref<832x32xf32, #tpu.memory_space<hbm>>
    %dma_start3A_96 = arith.constant 0 : i32
    %dma_start3A_97 = arith.constant 0 : i32
    %dma_start3A_98 = tpu.memref_slice %arg6[%dma_start3A_87, %dma_start3A_96, %dma_start3A_97] : memref<2x832x32xf32, #tpu.memory_space<vmem>> -> memref<1x832x32xf32, #tpu.memory_space<vmem>>
    %dma_start3A_99 = tpu.memref_squeeze %dma_start3A_98 : memref<1x832x32xf32, #tpu.memory_space<vmem>> -> memref<832x32xf32, #tpu.memory_space<vmem>>
    tpu.enqueue_dma source(%dma_start3A_99 : memref<832x32xf32, #tpu.memory_space<vmem>>) target(%dma_start3A_95 : memref<832x32xf32, #tpu.memory_space<hbm>>) target_semaphore(%arg10 : memref<!tpu.dma_semaphore, #tpu.memory_space<semaphore_mem>>)
    %add3A_100 = arith.constant 832 : i32
    %add3A_101 = arith.addi %mul3A_6, %add3A_100 : i32
    %dma_wait3A_102 = arith.constant 1 : i32
    %dma_wait3A_103 = arith.constant 0 : i32
    %dma_wait3A_104 = arith.constant 0 : i32
    %dma_wait3A_105 = tpu.memref_slice %arg6[%dma_wait3A_102, %dma_wait3A_103, %dma_wait3A_104] : memref<2x832x32xf32, #tpu.memory_space<vmem>> -> memref<1x832x32xf32, #tpu.memory_space<vmem>>
    %dma_wait3A_106 = tpu.memref_squeeze %dma_wait3A_105 : memref<1x832x32xf32, #tpu.memory_space<vmem>> -> memref<832x32xf32, #tpu.memory_space<vmem>>
    %dma_wait3A_107 = arith.constant 0 : i32
    %dma_wait3A_108 = tpu.memref_slice %arg4[%add3A_101, %dma_wait3A_107] : memref<106496x32xf32, #tpu.memory_space<hbm>> -> memref<832x32xf32, #tpu.memory_space<hbm>>
    %dma_wait3A_109 = arith.constant 0 : i32
    %dma_wait3A_110 = tpu.memref_slice %arg4[%add3A_101, %dma_wait3A_109] : memref<106496x32xf32, #tpu.memory_space<hbm>> -> memref<832x32xf32, #tpu.memory_space<hbm>>
    %dma_wait3A_111 = arith.constant 0 : i32
    %dma_wait3A_112 = arith.constant 0 : i32
    %dma_wait3A_113 = tpu.memref_slice %arg6[%dma_wait3A_102, %dma_wait3A_111, %dma_wait3A_112] : memref<2x832x32xf32, #tpu.memory_space<vmem>> -> memref<1x832x32xf32, #tpu.memory_space<vmem>>
    %dma_wait3A_114 = tpu.memref_squeeze %dma_wait3A_113 : memref<1x832x32xf32, #tpu.memory_space<vmem>> -> memref<832x32xf32, #tpu.memory_space<vmem>>
    tpu.wait_dma2 semaphore(%arg10 : memref<!tpu.dma_semaphore, #tpu.memory_space<semaphore_mem>>) src(%dma_wait3A_114 : memref<832x32xf32, #tpu.memory_space<vmem>>) dst(%dma_wait3A_110 : memref<832x32xf32, #tpu.memory_space<hbm>>)
    %dma_start3A_115 = arith.constant 1 : i32
    %dma_start3A_116 = arith.constant 0 : i32
    %dma_start3A_117 = arith.constant 0 : i32
    %dma_start3A_118 = tpu.memref_slice %arg6[%dma_start3A_115, %dma_start3A_116, %dma_start3A_117] : memref<2x832x32xf32, #tpu.memory_space<vmem>> -> memref<1x832x32xf32, #tpu.memory_space<vmem>>
    %dma_start3A_119 = tpu.memref_squeeze %dma_start3A_118 : memref<1x832x32xf32, #tpu.memory_space<vmem>> -> memref<832x32xf32, #tpu.memory_space<vmem>>
    %dma_start3A_120 = arith.constant 2496 : i32
    %dma_start3A_121 = tpu.memref_slice %arg5[%dma_start3A_120] : memref<3328xi32, #tpu.memory_space<vmem>> -> memref<832xi32, #tpu.memory_space<vmem>>
    %dma_start3A_122 = arith.constant 0 : i32
    %dma_start3A_123 = arith.constant 0 : i32
    %dma_start3A_124 = tpu.memref_slice %arg3[%dma_start3A_122, %dma_start3A_123] : memref<100001x32xf32, #tpu.memory_space<hbm>> -> memref<100001x32xf32, #tpu.memory_space<hbm>>
    tpu.enqueue_indirect_dma source(%dma_start3A_124 : memref<100001x32xf32, #tpu.memory_space<hbm>>) target(%dma_start3A_119 : memref<832x32xf32, #tpu.memory_space<vmem>>) offsets(%dma_start3A_121 : memref<832xi32, #tpu.memory_space<vmem>>) semaphore(%arg8 : memref<!tpu.dma_semaphore, #tpu.memory_space<semaphore_mem>>)
    %dma_wait3A_125 = arith.constant 0 : i32
    %dma_wait3A_126 = arith.constant 0 : i32
    %dma_wait3A_127 = arith.constant 0 : i32
    %dma_wait3A_128 = tpu.memref_slice %arg6[%dma_wait3A_125, %dma_wait3A_126, %dma_wait3A_127] : memref<2x832x32xf32, #tpu.memory_space<vmem>> -> memref<1x832x32xf32, #tpu.memory_space<vmem>>
    %dma_wait3A_129 = tpu.memref_squeeze %dma_wait3A_128 : memref<1x832x32xf32, #tpu.memory_space<vmem>> -> memref<832x32xf32, #tpu.memory_space<vmem>>
    %dma_wait3A_130 = arith.constant 1664 : i32
    %dma_wait3A_131 = tpu.memref_slice %arg5[%dma_wait3A_130] : memref<3328xi32, #tpu.memory_space<vmem>> -> memref<832xi32, #tpu.memory_space<vmem>>
    %dma_wait3A_132 = arith.constant 0 : i32
    %dma_wait3A_133 = arith.constant 0 : i32
    %dma_wait3A_134 = tpu.memref_slice %arg3[%dma_wait3A_132, %dma_wait3A_133] : memref<100001x32xf32, #tpu.memory_space<hbm>> -> memref<100001x32xf32, #tpu.memory_space<hbm>>
    tpu.wait_indirect_dma semaphore(%arg7 : memref<!tpu.dma_semaphore, #tpu.memory_space<semaphore_mem>>) src(%dma_wait3A_134 : memref<100001x32xf32, #tpu.memory_space<hbm>>) dst(%dma_wait3A_129 : memref<832x32xf32, #tpu.memory_space<vmem>>)
    %add3A_135 = arith.constant 1664 : i32
    %add3A_136 = arith.addi %mul3A_6, %add3A_135 : i32
    %dma_start3A_137 = arith.constant 0 : i32
    %dma_start3A_138 = arith.constant 0 : i32
    %dma_start3A_139 = arith.constant 0 : i32
    %dma_start3A_140 = tpu.memref_slice %arg6[%dma_start3A_137, %dma_start3A_138, %dma_start3A_139] : memref<2x832x32xf32, #tpu.memory_space<vmem>> -> memref<1x832x32xf32, #tpu.memory_space<vmem>>
    %dma_start3A_141 = tpu.memref_squeeze %dma_start3A_140 : memref<1x832x32xf32, #tpu.memory_space<vmem>> -> memref<832x32xf32, #tpu.memory_space<vmem>>
    %dma_start3A_142 = arith.constant 0 : i32
    %dma_start3A_143 = tpu.memref_slice %arg4[%add3A_136, %dma_start3A_142] : memref<106496x32xf32, #tpu.memory_space<hbm>> -> memref<832x32xf32, #tpu.memory_space<hbm>>
    %dma_start3A_144 = arith.constant 0 : i32
    %dma_start3A_145 = tpu.memref_slice %arg4[%add3A_136, %dma_start3A_144] : memref<106496x32xf32, #tpu.memory_space<hbm>> -> memref<832x32xf32, #tpu.memory_space<hbm>>
    %dma_start3A_146 = arith.constant 0 : i32
    %dma_start3A_147 = arith.constant 0 : i32
    %dma_start3A_148 = tpu.memref_slice %arg6[%dma_start3A_137, %dma_start3A_146, %dma_start3A_147] : memref<2x832x32xf32, #tpu.memory_space<vmem>> -> memref<1x832x32xf32, #tpu.memory_space<vmem>>
    %dma_start3A_149 = tpu.memref_squeeze %dma_start3A_148 : memref<1x832x32xf32, #tpu.memory_space<vmem>> -> memref<832x32xf32, #tpu.memory_space<vmem>>
    tpu.enqueue_dma source(%dma_start3A_149 : memref<832x32xf32, #tpu.memory_space<vmem>>) target(%dma_start3A_145 : memref<832x32xf32, #tpu.memory_space<hbm>>) target_semaphore(%arg9 : memref<!tpu.dma_semaphore, #tpu.memory_space<semaphore_mem>>)
    %dma_wait3A_150 = arith.constant 1 : i32
    %dma_wait3A_151 = arith.constant 0 : i32
    %dma_wait3A_152 = arith.constant 0 : i32
    %dma_wait3A_153 = tpu.memref_slice %arg6[%dma_wait3A_150, %dma_wait3A_151, %dma_wait3A_152] : memref<2x832x32xf32, #tpu.memory_space<vmem>> -> memref<1x832x32xf32, #tpu.memory_space<vmem>>
    %dma_wait3A_154 = tpu.memref_squeeze %dma_wait3A_153 : memref<1x832x32xf32, #tpu.memory_space<vmem>> -> memref<832x32xf32, #tpu.memory_space<vmem>>
    %dma_wait3A_155 = arith.constant 2496 : i32
    %dma_wait3A_156 = tpu.memref_slice %arg5[%dma_wait3A_155] : memref<3328xi32, #tpu.memory_space<vmem>> -> memref<832xi32, #tpu.memory_space<vmem>>
    %dma_wait3A_157 = arith.constant 0 : i32
    %dma_wait3A_158 = arith.constant 0 : i32
    %dma_wait3A_159 = tpu.memref_slice %arg3[%dma_wait3A_157, %dma_wait3A_158] : memref<100001x32xf32, #tpu.memory_space<hbm>> -> memref<100001x32xf32, #tpu.memory_space<hbm>>
    tpu.wait_indirect_dma semaphore(%arg8 : memref<!tpu.dma_semaphore, #tpu.memory_space<semaphore_mem>>) src(%dma_wait3A_159 : memref<100001x32xf32, #tpu.memory_space<hbm>>) dst(%dma_wait3A_154 : memref<832x32xf32, #tpu.memory_space<vmem>>)
    %add3A_160 = arith.constant 2496 : i32
    %add3A_161 = arith.addi %mul3A_6, %add3A_160 : i32
    %dma_start3A_162 = arith.constant 1 : i32
    %dma_start3A_163 = arith.constant 0 : i32
    %dma_start3A_164 = arith.constant 0 : i32
    %dma_start3A_165 = tpu.memref_slice %arg6[%dma_start3A_162, %dma_start3A_163, %dma_start3A_164] : memref<2x832x32xf32, #tpu.memory_space<vmem>> -> memref<1x832x32xf32, #tpu.memory_space<vmem>>
    %dma_start3A_166 = tpu.memref_squeeze %dma_start3A_165 : memref<1x832x32xf32, #tpu.memory_space<vmem>> -> memref<832x32xf32, #tpu.memory_space<vmem>>
    %dma_start3A_167 = arith.constant 0 : i32
    %dma_start3A_168 = tpu.memref_slice %arg4[%add3A_161, %dma_start3A_167] : memref<106496x32xf32, #tpu.memory_space<hbm>> -> memref<832x32xf32, #tpu.memory_space<hbm>>
    %dma_start3A_169 = arith.constant 0 : i32
    %dma_start3A_170 = tpu.memref_slice %arg4[%add3A_161, %dma_start3A_169] : memref<106496x32xf32, #tpu.memory_space<hbm>> -> memref<832x32xf32, #tpu.memory_space<hbm>>
    %dma_start3A_171 = arith.constant 0 : i32
    %dma_start3A_172 = arith.constant 0 : i32
    %dma_start3A_173 = tpu.memref_slice %arg6[%dma_start3A_162, %dma_start3A_171, %dma_start3A_172] : memref<2x832x32xf32, #tpu.memory_space<vmem>> -> memref<1x832x32xf32, #tpu.memory_space<vmem>>
    %dma_start3A_174 = tpu.memref_squeeze %dma_start3A_173 : memref<1x832x32xf32, #tpu.memory_space<vmem>> -> memref<832x32xf32, #tpu.memory_space<vmem>>
    tpu.enqueue_dma source(%dma_start3A_174 : memref<832x32xf32, #tpu.memory_space<vmem>>) target(%dma_start3A_170 : memref<832x32xf32, #tpu.memory_space<hbm>>) target_semaphore(%arg10 : memref<!tpu.dma_semaphore, #tpu.memory_space<semaphore_mem>>)
    %add3A_175 = arith.constant 1664 : i32
    %add3A_176 = arith.addi %mul3A_6, %add3A_175 : i32
    %dma_wait3A_177 = arith.constant 0 : i32
    %dma_wait3A_178 = arith.constant 0 : i32
    %dma_wait3A_179 = arith.constant 0 : i32
    %dma_wait3A_180 = tpu.memref_slice %arg6[%dma_wait3A_177, %dma_wait3A_178, %dma_wait3A_179] : memref<2x832x32xf32, #tpu.memory_space<vmem>> -> memref<1x832x32xf32, #tpu.memory_space<vmem>>
    %dma_wait3A_181 = tpu.memref_squeeze %dma_wait3A_180 : memref<1x832x32xf32, #tpu.memory_space<vmem>> -> memref<832x32xf32, #tpu.memory_space<vmem>>
    %dma_wait3A_182 = arith.constant 0 : i32
    %dma_wait3A_183 = tpu.memref_slice %arg4[%add3A_176, %dma_wait3A_182] : memref<106496x32xf32, #tpu.memory_space<hbm>> -> memref<832x32xf32, #tpu.memory_space<hbm>>
    %dma_wait3A_184 = arith.constant 0 : i32
    %dma_wait3A_185 = tpu.memref_slice %arg4[%add3A_176, %dma_wait3A_184] : memref<106496x32xf32, #tpu.memory_space<hbm>> -> memref<832x32xf32, #tpu.memory_space<hbm>>
    %dma_wait3A_186 = arith.constant 0 : i32
    %dma_wait3A_187 = arith.constant 0 : i32
    %dma_wait3A_188 = tpu.memref_slice %arg6[%dma_wait3A_177, %dma_wait3A_186, %dma_wait3A_187] : memref<2x832x32xf32, #tpu.memory_space<vmem>> -> memref<1x832x32xf32, #tpu.memory_space<vmem>>
    %dma_wait3A_189 = tpu.memref_squeeze %dma_wait3A_188 : memref<1x832x32xf32, #tpu.memory_space<vmem>> -> memref<832x32xf32, #tpu.memory_space<vmem>>
    tpu.wait_dma2 semaphore(%arg9 : memref<!tpu.dma_semaphore, #tpu.memory_space<semaphore_mem>>) src(%dma_wait3A_189 : memref<832x32xf32, #tpu.memory_space<vmem>>) dst(%dma_wait3A_185 : memref<832x32xf32, #tpu.memory_space<hbm>>)
    %add3A_190 = arith.constant 2496 : i32
    %add3A_191 = arith.addi %mul3A_6, %add3A_190 : i32
    %dma_wait3A_192 = arith.constant 1 : i32
    %dma_wait3A_193 = arith.constant 0 : i32
    %dma_wait3A_194 = arith.constant 0 : i32
    %dma_wait3A_195 = tpu.memref_slice %arg6[%dma_wait3A_192, %dma_wait3A_193, %dma_wait3A_194] : memref<2x832x32xf32, #tpu.memory_space<vmem>> -> memref<1x832x32xf32, #tpu.memory_space<vmem>>
    %dma_wait3A_196 = tpu.memref_squeeze %dma_wait3A_195 : memref<1x832x32xf32, #tpu.memory_space<vmem>> -> memref<832x32xf32, #tpu.memory_space<vmem>>
    %dma_wait3A_197 = arith.constant 0 : i32
    %dma_wait3A_198 = tpu.memref_slice %arg4[%add3A_191, %dma_wait3A_197] : memref<106496x32xf32, #tpu.memory_space<hbm>> -> memref<832x32xf32, #tpu.memory_space<hbm>>
    %dma_wait3A_199 = arith.constant 0 : i32
    %dma_wait3A_200 = tpu.memref_slice %arg4[%add3A_191, %dma_wait3A_199] : memref<106496x32xf32, #tpu.memory_space<hbm>> -> memref<832x32xf32, #tpu.memory_space<hbm>>
    %dma_wait3A_201 = arith.constant 0 : i32
    %dma_wait3A_202 = arith.constant 0 : i32
    %dma_wait3A_203 = tpu.memref_slice %arg6[%dma_wait3A_192, %dma_wait3A_201, %dma_wait3A_202] : memref<2x832x32xf32, #tpu.memory_space<vmem>> -> memref<1x832x32xf32, #tpu.memory_space<vmem>>
    %dma_wait3A_204 = tpu.memref_squeeze %dma_wait3A_203 : memref<1x832x32xf32, #tpu.memory_space<vmem>> -> memref<832x32xf32, #tpu.memory_space<vmem>>
    tpu.wait_dma2 semaphore(%arg10 : memref<!tpu.dma_semaphore, #tpu.memory_space<semaphore_mem>>) src(%dma_wait3A_204 : memref<832x32xf32, #tpu.memory_space<vmem>>) dst(%dma_wait3A_200 : memref<832x32xf32, #tpu.memory_space<hbm>>)
    return
  }
}

#map = affine_map<(d0, d1) -> (0)>
#map1 = affine_map<(d0, d1) -> (0, 0)>
module attributes {stable_mosaic.version = 14 : i64} {
  func.func @_body(%arg0: i32, %arg1: i32, %arg2: memref<425984xi32, #tpu.memory_space<hbm>>, %arg3: memref<100001x32xf32, #tpu.memory_space<hbm>>, %arg4: memref<106496x32xf32, #tpu.memory_space<hbm>>, %arg5: memref<3328xi32, #tpu.memory_space<vmem>>, %arg6: memref<2x832x32xf32, #tpu.memory_space<vmem>>, %arg7: memref<!tpu.dma_semaphore, #tpu.memory_space<semaphore_mem>>, %arg8: memref<!tpu.dma_semaphore, #tpu.memory_space<semaphore_mem>>, %arg9: memref<!tpu.dma_semaphore, #tpu.memory_space<semaphore_mem>>, %arg10: memref<!tpu.dma_semaphore, #tpu.memory_space<semaphore_mem>>) attributes {dimension_semantics = [#tpu.dimension_semantics<core_parallel>, #tpu.dimension_semantics<subcore_parallel>], iteration_bounds = array<i64: 2, 16>, scalar_prefetch = 0 : i64, scratch_operands = 6 : i64, tpu.core_type = #tpu.core_type<sc_vector_subcore>, window_params = [{transform_indices = #map}, {transform_indices = #map1}, {transform_indices = #map1}]} {
    %mul3A = arith.constant 2 : i32
    %mul3A_0 = arith.muli %arg1, %mul3A : i32
    %add3A = arith.addi %mul3A_0, %arg0 : i32
    %mul3A_1 = arith.constant 3328 : i32
    %mul3A_2 = arith.muli %add3A, %mul3A_1 : i32
    %add3A_3 = arith.constant 0 : i32
    %add3A_4 = arith.addi %add3A_3, %mul3A_2 : i32
    %mul3A_5 = arith.constant 3328 : i32
    %mul3A_6 = arith.muli %add3A, %mul3A_5 : i32
    "tpu.region"() ({
      %run_scoped3A = tpu.sem_alloc : memref<!tpu.dma_semaphore, #tpu.memory_space<semaphore_mem>>
      %dma_start3A_205 = tpu.memref_slice %arg2[%add3A_4] : memref<425984xi32, #tpu.memory_space<hbm>> -> memref<3328xi32, #tpu.memory_space<hbm>>
      %dma_start3A_206 = tpu.memref_slice %arg2[%add3A_4] : memref<425984xi32, #tpu.memory_space<hbm>> -> memref<3328xi32, #tpu.memory_space<hbm>>
      tpu.enqueue_dma source(%dma_start3A_206 : memref<3328xi32, #tpu.memory_space<hbm>>) target(%arg5 : memref<3328xi32, #tpu.memory_space<vmem>>) target_semaphore(%run_scoped3A : memref<!tpu.dma_semaphore, #tpu.memory_space<semaphore_mem>>)
      %dma_wait3A_207 = tpu.memref_slice %arg2[%add3A_4] : memref<425984xi32, #tpu.memory_space<hbm>> -> memref<3328xi32, #tpu.memory_space<hbm>>
      %dma_wait3A_208 = tpu.memref_slice %arg2[%add3A_4] : memref<425984xi32, #tpu.memory_space<hbm>> -> memref<3328xi32, #tpu.memory_space<hbm>>
      tpu.wait_dma2 semaphore(%run_scoped3A : memref<!tpu.dma_semaphore, #tpu.memory_space<semaphore_mem>>) src(%dma_wait3A_208 : memref<3328xi32, #tpu.memory_space<hbm>>) dst(%arg5 : memref<3328xi32, #tpu.memory_space<vmem>>)
      tpu.yield
    }) : () -> ()
    %dma_start3A = arith.constant 0 : i32
    %dma_start3A_7 = arith.constant 0 : i32
    %dma_start3A_8 = arith.constant 0 : i32
    %dma_start3A_9 = tpu.memref_slice %arg6[%dma_start3A, %dma_start3A_7, %dma_start3A_8] : memref<2x832x32xf32, #tpu.memory_space<vmem>> -> memref<1x832x32xf32, #tpu.memory_space<vmem>>
    %dma_start3A_10 = tpu.memref_squeeze %dma_start3A_9 : memref<1x832x32xf32, #tpu.memory_space<vmem>> -> memref<832x32xf32, #tpu.memory_space<vmem>>
    %dma_start3A_11 = arith.constant 0 : i32
    %dma_start3A_12 = tpu.memref_slice %arg5[%dma_start3A_11] : memref<3328xi32, #tpu.memory_space<vmem>> -> memref<832xi32, #tpu.memory_space<vmem>>
    %dma_start3A_13 = arith.constant 0 : i32
    %dma_start3A_14 = arith.constant 0 : i32
    %dma_start3A_15 = tpu.memref_slice %arg3[%dma_start3A_13, %dma_start3A_14] : memref<100001x32xf32, #tpu.memory_space<hbm>> -> memref<100001x32xf32, #tpu.memory_space<hbm>>
    tpu.enqueue_indirect_dma source(%dma_start3A_15 : memref<100001x32xf32, #tpu.memory_space<hbm>>) target(%dma_start3A_10 : memref<832x32xf32, #tpu.memory_space<vmem>>) offsets(%dma_start3A_12 : memref<832xi32, #tpu.memory_space<vmem>>) semaphore(%arg7 : memref<!tpu.dma_semaphore, #tpu.memory_space<semaphore_mem>>)
    %dma_start3A_16 = arith.constant 1 : i32
    %dma_start3A_17 = arith.constant 0 : i32
    %dma_start3A_18 = arith.constant 0 : i32
    %dma_start3A_19 = tpu.memref_slice %arg6[%dma_start3A_16, %dma_start3A_17, %dma_start3A_18] : memref<2x832x32xf32, #tpu.memory_space<vmem>> -> memref<1x832x32xf32, #tpu.memory_space<vmem>>
    %dma_start3A_20 = tpu.memref_squeeze %dma_start3A_19 : memref<1x832x32xf32, #tpu.memory_space<vmem>> -> memref<832x32xf32, #tpu.memory_space<vmem>>
    %dma_start3A_21 = arith.constant 832 : i32
    %dma_start3A_22 = tpu.memref_slice %arg5[%dma_start3A_21] : memref<3328xi32, #tpu.memory_space<vmem>> -> memref<832xi32, #tpu.memory_space<vmem>>
    %dma_start3A_23 = arith.constant 0 : i32
    %dma_start3A_24 = arith.constant 0 : i32
    %dma_start3A_25 = tpu.memref_slice %arg3[%dma_start3A_23, %dma_start3A_24] : memref<100001x32xf32, #tpu.memory_space<hbm>> -> memref<100001x32xf32, #tpu.memory_space<hbm>>
    tpu.enqueue_indirect_dma source(%dma_start3A_25 : memref<100001x32xf32, #tpu.memory_space<hbm>>) target(%dma_start3A_20 : memref<832x32xf32, #tpu.memory_space<vmem>>) offsets(%dma_start3A_22 : memref<832xi32, #tpu.memory_space<vmem>>) semaphore(%arg8 : memref<!tpu.dma_semaphore, #tpu.memory_space<semaphore_mem>>)
    %dma_wait3A = arith.constant 0 : i32
    %dma_wait3A_26 = arith.constant 0 : i32
    %dma_wait3A_27 = arith.constant 0 : i32
    %dma_wait3A_28 = tpu.memref_slice %arg6[%dma_wait3A, %dma_wait3A_26, %dma_wait3A_27] : memref<2x832x32xf32, #tpu.memory_space<vmem>> -> memref<1x832x32xf32, #tpu.memory_space<vmem>>
    %dma_wait3A_29 = tpu.memref_squeeze %dma_wait3A_28 : memref<1x832x32xf32, #tpu.memory_space<vmem>> -> memref<832x32xf32, #tpu.memory_space<vmem>>
    %dma_wait3A_30 = arith.constant 0 : i32
    %dma_wait3A_31 = tpu.memref_slice %arg5[%dma_wait3A_30] : memref<3328xi32, #tpu.memory_space<vmem>> -> memref<832xi32, #tpu.memory_space<vmem>>
    %dma_wait3A_32 = arith.constant 0 : i32
    %dma_wait3A_33 = arith.constant 0 : i32
    %dma_wait3A_34 = tpu.memref_slice %arg3[%dma_wait3A_32, %dma_wait3A_33] : memref<100001x32xf32, #tpu.memory_space<hbm>> -> memref<100001x32xf32, #tpu.memory_space<hbm>>
    tpu.wait_indirect_dma semaphore(%arg7 : memref<!tpu.dma_semaphore, #tpu.memory_space<semaphore_mem>>) src(%dma_wait3A_34 : memref<100001x32xf32, #tpu.memory_space<hbm>>) dst(%dma_wait3A_29 : memref<832x32xf32, #tpu.memory_space<vmem>>)
    %add3A_35 = arith.constant 0 : i32
    %add3A_36 = arith.addi %mul3A_6, %add3A_35 : i32
    %dma_start3A_37 = arith.constant 0 : i32
    %dma_start3A_38 = arith.constant 0 : i32
    %dma_start3A_39 = arith.constant 0 : i32
    %dma_start3A_40 = tpu.memref_slice %arg6[%dma_start3A_37, %dma_start3A_38, %dma_start3A_39] : memref<2x832x32xf32, #tpu.memory_space<vmem>> -> memref<1x832x32xf32, #tpu.memory_space<vmem>>
    %dma_start3A_41 = tpu.memref_squeeze %dma_start3A_40 : memref<1x832x32xf32, #tpu.memory_space<vmem>> -> memref<832x32xf32, #tpu.memory_space<vmem>>
    %dma_start3A_42 = arith.constant 0 : i32
    %dma_start3A_43 = tpu.memref_slice %arg4[%add3A_36, %dma_start3A_42] : memref<106496x32xf32, #tpu.memory_space<hbm>> -> memref<832x32xf32, #tpu.memory_space<hbm>>
    %dma_start3A_44 = arith.constant 0 : i32
    %dma_start3A_45 = tpu.memref_slice %arg4[%add3A_36, %dma_start3A_44] : memref<106496x32xf32, #tpu.memory_space<hbm>> -> memref<832x32xf32, #tpu.memory_space<hbm>>
    %dma_start3A_46 = arith.constant 0 : i32
    %dma_start3A_47 = arith.constant 0 : i32
    %dma_start3A_48 = tpu.memref_slice %arg6[%dma_start3A_37, %dma_start3A_46, %dma_start3A_47] : memref<2x832x32xf32, #tpu.memory_space<vmem>> -> memref<1x832x32xf32, #tpu.memory_space<vmem>>
    %dma_start3A_49 = tpu.memref_squeeze %dma_start3A_48 : memref<1x832x32xf32, #tpu.memory_space<vmem>> -> memref<832x32xf32, #tpu.memory_space<vmem>>
    tpu.enqueue_dma source(%dma_start3A_49 : memref<832x32xf32, #tpu.memory_space<vmem>>) target(%dma_start3A_45 : memref<832x32xf32, #tpu.memory_space<hbm>>) target_semaphore(%arg9 : memref<!tpu.dma_semaphore, #tpu.memory_space<semaphore_mem>>)
    %add3A_50 = arith.constant 0 : i32
    %add3A_51 = arith.addi %mul3A_6, %add3A_50 : i32
    %dma_wait3A_52 = arith.constant 0 : i32
    %dma_wait3A_53 = arith.constant 0 : i32
    %dma_wait3A_54 = arith.constant 0 : i32
    %dma_wait3A_55 = tpu.memref_slice %arg6[%dma_wait3A_52, %dma_wait3A_53, %dma_wait3A_54] : memref<2x832x32xf32, #tpu.memory_space<vmem>> -> memref<1x832x32xf32, #tpu.memory_space<vmem>>
    %dma_wait3A_56 = tpu.memref_squeeze %dma_wait3A_55 : memref<1x832x32xf32, #tpu.memory_space<vmem>> -> memref<832x32xf32, #tpu.memory_space<vmem>>
    %dma_wait3A_57 = arith.constant 0 : i32
    %dma_wait3A_58 = tpu.memref_slice %arg4[%add3A_51, %dma_wait3A_57] : memref<106496x32xf32, #tpu.memory_space<hbm>> -> memref<832x32xf32, #tpu.memory_space<hbm>>
    %dma_wait3A_59 = arith.constant 0 : i32
    %dma_wait3A_60 = tpu.memref_slice %arg4[%add3A_51, %dma_wait3A_59] : memref<106496x32xf32, #tpu.memory_space<hbm>> -> memref<832x32xf32, #tpu.memory_space<hbm>>
    %dma_wait3A_61 = arith.constant 0 : i32
    %dma_wait3A_62 = arith.constant 0 : i32
    %dma_wait3A_63 = tpu.memref_slice %arg6[%dma_wait3A_52, %dma_wait3A_61, %dma_wait3A_62] : memref<2x832x32xf32, #tpu.memory_space<vmem>> -> memref<1x832x32xf32, #tpu.memory_space<vmem>>
    %dma_wait3A_64 = tpu.memref_squeeze %dma_wait3A_63 : memref<1x832x32xf32, #tpu.memory_space<vmem>> -> memref<832x32xf32, #tpu.memory_space<vmem>>
    tpu.wait_dma2 semaphore(%arg9 : memref<!tpu.dma_semaphore, #tpu.memory_space<semaphore_mem>>) src(%dma_wait3A_64 : memref<832x32xf32, #tpu.memory_space<vmem>>) dst(%dma_wait3A_60 : memref<832x32xf32, #tpu.memory_space<hbm>>)
    %dma_start3A_65 = arith.constant 0 : i32
    %dma_start3A_66 = arith.constant 0 : i32
    %dma_start3A_67 = arith.constant 0 : i32
    %dma_start3A_68 = tpu.memref_slice %arg6[%dma_start3A_65, %dma_start3A_66, %dma_start3A_67] : memref<2x832x32xf32, #tpu.memory_space<vmem>> -> memref<1x832x32xf32, #tpu.memory_space<vmem>>
    %dma_start3A_69 = tpu.memref_squeeze %dma_start3A_68 : memref<1x832x32xf32, #tpu.memory_space<vmem>> -> memref<832x32xf32, #tpu.memory_space<vmem>>
    %dma_start3A_70 = arith.constant 1664 : i32
    %dma_start3A_71 = tpu.memref_slice %arg5[%dma_start3A_70] : memref<3328xi32, #tpu.memory_space<vmem>> -> memref<832xi32, #tpu.memory_space<vmem>>
    %dma_start3A_72 = arith.constant 0 : i32
    %dma_start3A_73 = arith.constant 0 : i32
    %dma_start3A_74 = tpu.memref_slice %arg3[%dma_start3A_72, %dma_start3A_73] : memref<100001x32xf32, #tpu.memory_space<hbm>> -> memref<100001x32xf32, #tpu.memory_space<hbm>>
    tpu.enqueue_indirect_dma source(%dma_start3A_74 : memref<100001x32xf32, #tpu.memory_space<hbm>>) target(%dma_start3A_69 : memref<832x32xf32, #tpu.memory_space<vmem>>) offsets(%dma_start3A_71 : memref<832xi32, #tpu.memory_space<vmem>>) semaphore(%arg7 : memref<!tpu.dma_semaphore, #tpu.memory_space<semaphore_mem>>)
    %dma_wait3A_75 = arith.constant 1 : i32
    %dma_wait3A_76 = arith.constant 0 : i32
    %dma_wait3A_77 = arith.constant 0 : i32
    %dma_wait3A_78 = tpu.memref_slice %arg6[%dma_wait3A_75, %dma_wait3A_76, %dma_wait3A_77] : memref<2x832x32xf32, #tpu.memory_space<vmem>> -> memref<1x832x32xf32, #tpu.memory_space<vmem>>
    %dma_wait3A_79 = tpu.memref_squeeze %dma_wait3A_78 : memref<1x832x32xf32, #tpu.memory_space<vmem>> -> memref<832x32xf32, #tpu.memory_space<vmem>>
    %dma_wait3A_80 = arith.constant 832 : i32
    %dma_wait3A_81 = tpu.memref_slice %arg5[%dma_wait3A_80] : memref<3328xi32, #tpu.memory_space<vmem>> -> memref<832xi32, #tpu.memory_space<vmem>>
    %dma_wait3A_82 = arith.constant 0 : i32
    %dma_wait3A_83 = arith.constant 0 : i32
    %dma_wait3A_84 = tpu.memref_slice %arg3[%dma_wait3A_82, %dma_wait3A_83] : memref<100001x32xf32, #tpu.memory_space<hbm>> -> memref<100001x32xf32, #tpu.memory_space<hbm>>
    tpu.wait_indirect_dma semaphore(%arg8 : memref<!tpu.dma_semaphore, #tpu.memory_space<semaphore_mem>>) src(%dma_wait3A_84 : memref<100001x32xf32, #tpu.memory_space<hbm>>) dst(%dma_wait3A_79 : memref<832x32xf32, #tpu.memory_space<vmem>>)
    %add3A_85 = arith.constant 832 : i32
    %add3A_86 = arith.addi %mul3A_6, %add3A_85 : i32
    %dma_start3A_87 = arith.constant 1 : i32
    %dma_start3A_88 = arith.constant 0 : i32
    %dma_start3A_89 = arith.constant 0 : i32
    %dma_start3A_90 = tpu.memref_slice %arg6[%dma_start3A_87, %dma_start3A_88, %dma_start3A_89] : memref<2x832x32xf32, #tpu.memory_space<vmem>> -> memref<1x832x32xf32, #tpu.memory_space<vmem>>
    %dma_start3A_91 = tpu.memref_squeeze %dma_start3A_90 : memref<1x832x32xf32, #tpu.memory_space<vmem>> -> memref<832x32xf32, #tpu.memory_space<vmem>>
    %dma_start3A_92 = arith.constant 0 : i32
    %dma_start3A_93 = tpu.memref_slice %arg4[%add3A_86, %dma_start3A_92] : memref<106496x32xf32, #tpu.memory_space<hbm>> -> memref<832x32xf32, #tpu.memory_space<hbm>>
    %dma_start3A_94 = arith.constant 0 : i32
    %dma_start3A_95 = tpu.memref_slice %arg4[%add3A_86, %dma_start3A_94] : memref<106496x32xf32, #tpu.memory_space<hbm>> -> memref<832x32xf32, #tpu.memory_space<hbm>>
    %dma_start3A_96 = arith.constant 0 : i32
    %dma_start3A_97 = arith.constant 0 : i32
    %dma_start3A_98 = tpu.memref_slice %arg6[%dma_start3A_87, %dma_start3A_96, %dma_start3A_97] : memref<2x832x32xf32, #tpu.memory_space<vmem>> -> memref<1x832x32xf32, #tpu.memory_space<vmem>>
    %dma_start3A_99 = tpu.memref_squeeze %dma_start3A_98 : memref<1x832x32xf32, #tpu.memory_space<vmem>> -> memref<832x32xf32, #tpu.memory_space<vmem>>
    tpu.enqueue_dma source(%dma_start3A_99 : memref<832x32xf32, #tpu.memory_space<vmem>>) target(%dma_start3A_95 : memref<832x32xf32, #tpu.memory_space<hbm>>) target_semaphore(%arg10 : memref<!tpu.dma_semaphore, #tpu.memory_space<semaphore_mem>>)
    %add3A_100 = arith.constant 832 : i32
    %add3A_101 = arith.addi %mul3A_6, %add3A_100 : i32
    %dma_wait3A_102 = arith.constant 1 : i32
    %dma_wait3A_103 = arith.constant 0 : i32
    %dma_wait3A_104 = arith.constant 0 : i32
    %dma_wait3A_105 = tpu.memref_slice %arg6[%dma_wait3A_102, %dma_wait3A_103, %dma_wait3A_104] : memref<2x832x32xf32, #tpu.memory_space<vmem>> -> memref<1x832x32xf32, #tpu.memory_space<vmem>>
    %dma_wait3A_106 = tpu.memref_squeeze %dma_wait3A_105 : memref<1x832x32xf32, #tpu.memory_space<vmem>> -> memref<832x32xf32, #tpu.memory_space<vmem>>
    %dma_wait3A_107 = arith.constant 0 : i32
    %dma_wait3A_108 = tpu.memref_slice %arg4[%add3A_101, %dma_wait3A_107] : memref<106496x32xf32, #tpu.memory_space<hbm>> -> memref<832x32xf32, #tpu.memory_space<hbm>>
    %dma_wait3A_109 = arith.constant 0 : i32
    %dma_wait3A_110 = tpu.memref_slice %arg4[%add3A_101, %dma_wait3A_109] : memref<106496x32xf32, #tpu.memory_space<hbm>> -> memref<832x32xf32, #tpu.memory_space<hbm>>
    %dma_wait3A_111 = arith.constant 0 : i32
    %dma_wait3A_112 = arith.constant 0 : i32
    %dma_wait3A_113 = tpu.memref_slice %arg6[%dma_wait3A_102, %dma_wait3A_111, %dma_wait3A_112] : memref<2x832x32xf32, #tpu.memory_space<vmem>> -> memref<1x832x32xf32, #tpu.memory_space<vmem>>
    %dma_wait3A_114 = tpu.memref_squeeze %dma_wait3A_113 : memref<1x832x32xf32, #tpu.memory_space<vmem>> -> memref<832x32xf32, #tpu.memory_space<vmem>>
    tpu.wait_dma2 semaphore(%arg10 : memref<!tpu.dma_semaphore, #tpu.memory_space<semaphore_mem>>) src(%dma_wait3A_114 : memref<832x32xf32, #tpu.memory_space<vmem>>) dst(%dma_wait3A_110 : memref<832x32xf32, #tpu.memory_space<hbm>>)
    %dma_start3A_115 = arith.constant 1 : i32
    %dma_start3A_116 = arith.constant 0 : i32
    %dma_start3A_117 = arith.constant 0 : i32
    %dma_start3A_118 = tpu.memref_slice %arg6[%dma_start3A_115, %dma_start3A_116, %dma_start3A_117] : memref<2x832x32xf32, #tpu.memory_space<vmem>> -> memref<1x832x32xf32, #tpu.memory_space<vmem>>
    %dma_start3A_119 = tpu.memref_squeeze %dma_start3A_118 : memref<1x832x32xf32, #tpu.memory_space<vmem>> -> memref<832x32xf32, #tpu.memory_space<vmem>>
    %dma_start3A_120 = arith.constant 2496 : i32
    %dma_start3A_121 = tpu.memref_slice %arg5[%dma_start3A_120] : memref<3328xi32, #tpu.memory_space<vmem>> -> memref<832xi32, #tpu.memory_space<vmem>>
    %dma_start3A_122 = arith.constant 0 : i32
    %dma_start3A_123 = arith.constant 0 : i32
    %dma_start3A_124 = tpu.memref_slice %arg3[%dma_start3A_122, %dma_start3A_123] : memref<100001x32xf32, #tpu.memory_space<hbm>> -> memref<100001x32xf32, #tpu.memory_space<hbm>>
    tpu.enqueue_indirect_dma source(%dma_start3A_124 : memref<100001x32xf32, #tpu.memory_space<hbm>>) target(%dma_start3A_119 : memref<832x32xf32, #tpu.memory_space<vmem>>) offsets(%dma_start3A_121 : memref<832xi32, #tpu.memory_space<vmem>>) semaphore(%arg8 : memref<!tpu.dma_semaphore, #tpu.memory_space<semaphore_mem>>)
    %dma_wait3A_125 = arith.constant 0 : i32
    %dma_wait3A_126 = arith.constant 0 : i32
    %dma_wait3A_127 = arith.constant 0 : i32
    %dma_wait3A_128 = tpu.memref_slice %arg6[%dma_wait3A_125, %dma_wait3A_126, %dma_wait3A_127] : memref<2x832x32xf32, #tpu.memory_space<vmem>> -> memref<1x832x32xf32, #tpu.memory_space<vmem>>
    %dma_wait3A_129 = tpu.memref_squeeze %dma_wait3A_128 : memref<1x832x32xf32, #tpu.memory_space<vmem>> -> memref<832x32xf32, #tpu.memory_space<vmem>>
    %dma_wait3A_130 = arith.constant 1664 : i32
    %dma_wait3A_131 = tpu.memref_slice %arg5[%dma_wait3A_130] : memref<3328xi32, #tpu.memory_space<vmem>> -> memref<832xi32, #tpu.memory_space<vmem>>
    %dma_wait3A_132 = arith.constant 0 : i32
    %dma_wait3A_133 = arith.constant 0 : i32
    %dma_wait3A_134 = tpu.memref_slice %arg3[%dma_wait3A_132, %dma_wait3A_133] : memref<100001x32xf32, #tpu.memory_space<hbm>> -> memref<100001x32xf32, #tpu.memory_space<hbm>>
    tpu.wait_indirect_dma semaphore(%arg7 : memref<!tpu.dma_semaphore, #tpu.memory_space<semaphore_mem>>) src(%dma_wait3A_134 : memref<100001x32xf32, #tpu.memory_space<hbm>>) dst(%dma_wait3A_129 : memref<832x32xf32, #tpu.memory_space<vmem>>)
    %add3A_135 = arith.constant 1664 : i32
    %add3A_136 = arith.addi %mul3A_6, %add3A_135 : i32
    %dma_start3A_137 = arith.constant 0 : i32
    %dma_start3A_138 = arith.constant 0 : i32
    %dma_start3A_139 = arith.constant 0 : i32
    %dma_start3A_140 = tpu.memref_slice %arg6[%dma_start3A_137, %dma_start3A_138, %dma_start3A_139] : memref<2x832x32xf32, #tpu.memory_space<vmem>> -> memref<1x832x32xf32, #tpu.memory_space<vmem>>
    %dma_start3A_141 = tpu.memref_squeeze %dma_start3A_140 : memref<1x832x32xf32, #tpu.memory_space<vmem>> -> memref<832x32xf32, #tpu.memory_space<vmem>>
    %dma_start3A_142 = arith.constant 0 : i32
    %dma_start3A_143 = tpu.memref_slice %arg4[%add3A_136, %dma_start3A_142] : memref<106496x32xf32, #tpu.memory_space<hbm>> -> memref<832x32xf32, #tpu.memory_space<hbm>>
    %dma_start3A_144 = arith.constant 0 : i32
    %dma_start3A_145 = tpu.memref_slice %arg4[%add3A_136, %dma_start3A_144] : memref<106496x32xf32, #tpu.memory_space<hbm>> -> memref<832x32xf32, #tpu.memory_space<hbm>>
    %dma_start3A_146 = arith.constant 0 : i32
    %dma_start3A_147 = arith.constant 0 : i32
    %dma_start3A_148 = tpu.memref_slice %arg6[%dma_start3A_137, %dma_start3A_146, %dma_start3A_147] : memref<2x832x32xf32, #tpu.memory_space<vmem>> -> memref<1x832x32xf32, #tpu.memory_space<vmem>>
    %dma_start3A_149 = tpu.memref_squeeze %dma_start3A_148 : memref<1x832x32xf32, #tpu.memory_space<vmem>> -> memref<832x32xf32, #tpu.memory_space<vmem>>
    tpu.enqueue_dma source(%dma_start3A_149 : memref<832x32xf32, #tpu.memory_space<vmem>>) target(%dma_start3A_145 : memref<832x32xf32, #tpu.memory_space<hbm>>) target_semaphore(%arg9 : memref<!tpu.dma_semaphore, #tpu.memory_space<semaphore_mem>>)
    %dma_wait3A_150 = arith.constant 1 : i32
    %dma_wait3A_151 = arith.constant 0 : i32
    %dma_wait3A_152 = arith.constant 0 : i32
    %dma_wait3A_153 = tpu.memref_slice %arg6[%dma_wait3A_150, %dma_wait3A_151, %dma_wait3A_152] : memref<2x832x32xf32, #tpu.memory_space<vmem>> -> memref<1x832x32xf32, #tpu.memory_space<vmem>>
    %dma_wait3A_154 = tpu.memref_squeeze %dma_wait3A_153 : memref<1x832x32xf32, #tpu.memory_space<vmem>> -> memref<832x32xf32, #tpu.memory_space<vmem>>
    %dma_wait3A_155 = arith.constant 2496 : i32
    %dma_wait3A_156 = tpu.memref_slice %arg5[%dma_wait3A_155] : memref<3328xi32, #tpu.memory_space<vmem>> -> memref<832xi32, #tpu.memory_space<vmem>>
    %dma_wait3A_157 = arith.constant 0 : i32
    %dma_wait3A_158 = arith.constant 0 : i32
    %dma_wait3A_159 = tpu.memref_slice %arg3[%dma_wait3A_157, %dma_wait3A_158] : memref<100001x32xf32, #tpu.memory_space<hbm>> -> memref<100001x32xf32, #tpu.memory_space<hbm>>
    tpu.wait_indirect_dma semaphore(%arg8 : memref<!tpu.dma_semaphore, #tpu.memory_space<semaphore_mem>>) src(%dma_wait3A_159 : memref<100001x32xf32, #tpu.memory_space<hbm>>) dst(%dma_wait3A_154 : memref<832x32xf32, #tpu.memory_space<vmem>>)
    %add3A_160 = arith.constant 2496 : i32
    %add3A_161 = arith.addi %mul3A_6, %add3A_160 : i32
    %dma_start3A_162 = arith.constant 1 : i32
    %dma_start3A_163 = arith.constant 0 : i32
    %dma_start3A_164 = arith.constant 0 : i32
    %dma_start3A_165 = tpu.memref_slice %arg6[%dma_start3A_162, %dma_start3A_163, %dma_start3A_164] : memref<2x832x32xf32, #tpu.memory_space<vmem>> -> memref<1x832x32xf32, #tpu.memory_space<vmem>>
    %dma_start3A_166 = tpu.memref_squeeze %dma_start3A_165 : memref<1x832x32xf32, #tpu.memory_space<vmem>> -> memref<832x32xf32, #tpu.memory_space<vmem>>
    %dma_start3A_167 = arith.constant 0 : i32
    %dma_start3A_168 = tpu.memref_slice %arg4[%add3A_161, %dma_start3A_167] : memref<106496x32xf32, #tpu.memory_space<hbm>> -> memref<832x32xf32, #tpu.memory_space<hbm>>
    %dma_start3A_169 = arith.constant 0 : i32
    %dma_start3A_170 = tpu.memref_slice %arg4[%add3A_161, %dma_start3A_169] : memref<106496x32xf32, #tpu.memory_space<hbm>> -> memref<832x32xf32, #tpu.memory_space<hbm>>
    %dma_start3A_171 = arith.constant 0 : i32
    %dma_start3A_172 = arith.constant 0 : i32
    %dma_start3A_173 = tpu.memref_slice %arg6[%dma_start3A_162, %dma_start3A_171, %dma_start3A_172] : memref<2x832x32xf32, #tpu.memory_space<vmem>> -> memref<1x832x32xf32, #tpu.memory_space<vmem>>
    %dma_start3A_174 = tpu.memref_squeeze %dma_start3A_173 : memref<1x832x32xf32, #tpu.memory_space<vmem>> -> memref<832x32xf32, #tpu.memory_space<vmem>>
    tpu.enqueue_dma source(%dma_start3A_174 : memref<832x32xf32, #tpu.memory_space<vmem>>) target(%dma_start3A_170 : memref<832x32xf32, #tpu.memory_space<hbm>>) target_semaphore(%arg10 : memref<!tpu.dma_semaphore, #tpu.memory_space<semaphore_mem>>)
    %add3A_175 = arith.constant 1664 : i32
    %add3A_176 = arith.addi %mul3A_6, %add3A_175 : i32
    %dma_wait3A_177 = arith.constant 0 : i32
    %dma_wait3A_178 = arith.constant 0 : i32
    %dma_wait3A_179 = arith.constant 0 : i32
    %dma_wait3A_180 = tpu.memref_slice %arg6[%dma_wait3A_177, %dma_wait3A_178, %dma_wait3A_179] : memref<2x832x32xf32, #tpu.memory_space<vmem>> -> memref<1x832x32xf32, #tpu.memory_space<vmem>>
    %dma_wait3A_181 = tpu.memref_squeeze %dma_wait3A_180 : memref<1x832x32xf32, #tpu.memory_space<vmem>> -> memref<832x32xf32, #tpu.memory_space<vmem>>
    %dma_wait3A_182 = arith.constant 0 : i32
    %dma_wait3A_183 = tpu.memref_slice %arg4[%add3A_176, %dma_wait3A_182] : memref<106496x32xf32, #tpu.memory_space<hbm>> -> memref<832x32xf32, #tpu.memory_space<hbm>>
    %dma_wait3A_184 = arith.constant 0 : i32
    %dma_wait3A_185 = tpu.memref_slice %arg4[%add3A_176, %dma_wait3A_184] : memref<106496x32xf32, #tpu.memory_space<hbm>> -> memref<832x32xf32, #tpu.memory_space<hbm>>
    %dma_wait3A_186 = arith.constant 0 : i32
    %dma_wait3A_187 = arith.constant 0 : i32
    %dma_wait3A_188 = tpu.memref_slice %arg6[%dma_wait3A_177, %dma_wait3A_186, %dma_wait3A_187] : memref<2x832x32xf32, #tpu.memory_space<vmem>> -> memref<1x832x32xf32, #tpu.memory_space<vmem>>
    %dma_wait3A_189 = tpu.memref_squeeze %dma_wait3A_188 : memref<1x832x32xf32, #tpu.memory_space<vmem>> -> memref<832x32xf32, #tpu.memory_space<vmem>>
    tpu.wait_dma2 semaphore(%arg9 : memref<!tpu.dma_semaphore, #tpu.memory_space<semaphore_mem>>) src(%dma_wait3A_189 : memref<832x32xf32, #tpu.memory_space<vmem>>) dst(%dma_wait3A_185 : memref<832x32xf32, #tpu.memory_space<hbm>>)
    %add3A_190 = arith.constant 2496 : i32
    %add3A_191 = arith.addi %mul3A_6, %add3A_190 : i32
    %dma_wait3A_192 = arith.constant 1 : i32
    %dma_wait3A_193 = arith.constant 0 : i32
    %dma_wait3A_194 = arith.constant 0 : i32
    %dma_wait3A_195 = tpu.memref_slice %arg6[%dma_wait3A_192, %dma_wait3A_193, %dma_wait3A_194] : memref<2x832x32xf32, #tpu.memory_space<vmem>> -> memref<1x832x32xf32, #tpu.memory_space<vmem>>
    %dma_wait3A_196 = tpu.memref_squeeze %dma_wait3A_195 : memref<1x832x32xf32, #tpu.memory_space<vmem>> -> memref<832x32xf32, #tpu.memory_space<vmem>>
    %dma_wait3A_197 = arith.constant 0 : i32
    %dma_wait3A_198 = tpu.memref_slice %arg4[%add3A_191, %dma_wait3A_197] : memref<106496x32xf32, #tpu.memory_space<hbm>> -> memref<832x32xf32, #tpu.memory_space<hbm>>
    %dma_wait3A_199 = arith.constant 0 : i32
    %dma_wait3A_200 = tpu.memref_slice %arg4[%add3A_191, %dma_wait3A_199] : memref<106496x32xf32, #tpu.memory_space<hbm>> -> memref<832x32xf32, #tpu.memory_space<hbm>>
    %dma_wait3A_201 = arith.constant 0 : i32
    %dma_wait3A_202 = arith.constant 0 : i32
    %dma_wait3A_203 = tpu.memref_slice %arg6[%dma_wait3A_192, %dma_wait3A_201, %dma_wait3A_202] : memref<2x832x32xf32, #tpu.memory_space<vmem>> -> memref<1x832x32xf32, #tpu.memory_space<vmem>>
    %dma_wait3A_204 = tpu.memref_squeeze %dma_wait3A_203 : memref<1x832x32xf32, #tpu.memory_space<vmem>> -> memref<832x32xf32, #tpu.memory_space<vmem>>
    tpu.wait_dma2 semaphore(%arg10 : memref<!tpu.dma_semaphore, #tpu.memory_space<semaphore_mem>>) src(%dma_wait3A_204 : memref<832x32xf32, #tpu.memory_space<vmem>>) dst(%dma_wait3A_200 : memref<832x32xf32, #tpu.memory_space<hbm>>)
    return
  }
}

#map = affine_map<(d0, d1) -> (0)>
#map1 = affine_map<(d0, d1) -> (0, 0)>
module attributes {stable_mosaic.version = 14 : i64} {
  func.func @_body(%arg0: i32, %arg1: i32, %arg2: memref<425984xi32, #tpu.memory_space<hbm>>, %arg3: memref<100001x32xf32, #tpu.memory_space<hbm>>, %arg4: memref<106496x32xf32, #tpu.memory_space<hbm>>, %arg5: memref<3328xi32, #tpu.memory_space<vmem>>, %arg6: memref<2x832x32xf32, #tpu.memory_space<vmem>>, %arg7: memref<!tpu.dma_semaphore, #tpu.memory_space<semaphore_mem>>, %arg8: memref<!tpu.dma_semaphore, #tpu.memory_space<semaphore_mem>>, %arg9: memref<!tpu.dma_semaphore, #tpu.memory_space<semaphore_mem>>, %arg10: memref<!tpu.dma_semaphore, #tpu.memory_space<semaphore_mem>>) attributes {dimension_semantics = [#tpu.dimension_semantics<core_parallel>, #tpu.dimension_semantics<subcore_parallel>], iteration_bounds = array<i64: 2, 16>, scalar_prefetch = 0 : i64, scratch_operands = 6 : i64, tpu.core_type = #tpu.core_type<sc_vector_subcore>, window_params = [{transform_indices = #map}, {transform_indices = #map1}, {transform_indices = #map1}]} {
    %mul3A = arith.constant 2 : i32
    %mul3A_0 = arith.muli %arg1, %mul3A : i32
    %add3A = arith.addi %mul3A_0, %arg0 : i32
    %mul3A_1 = arith.constant 3328 : i32
    %mul3A_2 = arith.muli %add3A, %mul3A_1 : i32
    %add3A_3 = arith.constant 212992 : i32
    %add3A_4 = arith.addi %add3A_3, %mul3A_2 : i32
    %mul3A_5 = arith.constant 3328 : i32
    %mul3A_6 = arith.muli %add3A, %mul3A_5 : i32
    "tpu.region"() ({
      %run_scoped3A = tpu.sem_alloc : memref<!tpu.dma_semaphore, #tpu.memory_space<semaphore_mem>>
      %dma_start3A_205 = tpu.memref_slice %arg2[%add3A_4] : memref<425984xi32, #tpu.memory_space<hbm>> -> memref<3328xi32, #tpu.memory_space<hbm>>
      %dma_start3A_206 = tpu.memref_slice %arg2[%add3A_4] : memref<425984xi32, #tpu.memory_space<hbm>> -> memref<3328xi32, #tpu.memory_space<hbm>>
      tpu.enqueue_dma source(%dma_start3A_206 : memref<3328xi32, #tpu.memory_space<hbm>>) target(%arg5 : memref<3328xi32, #tpu.memory_space<vmem>>) target_semaphore(%run_scoped3A : memref<!tpu.dma_semaphore, #tpu.memory_space<semaphore_mem>>)
      %dma_wait3A_207 = tpu.memref_slice %arg2[%add3A_4] : memref<425984xi32, #tpu.memory_space<hbm>> -> memref<3328xi32, #tpu.memory_space<hbm>>
      %dma_wait3A_208 = tpu.memref_slice %arg2[%add3A_4] : memref<425984xi32, #tpu.memory_space<hbm>> -> memref<3328xi32, #tpu.memory_space<hbm>>
      tpu.wait_dma2 semaphore(%run_scoped3A : memref<!tpu.dma_semaphore, #tpu.memory_space<semaphore_mem>>) src(%dma_wait3A_208 : memref<3328xi32, #tpu.memory_space<hbm>>) dst(%arg5 : memref<3328xi32, #tpu.memory_space<vmem>>)
      tpu.yield
    }) : () -> ()
    %dma_start3A = arith.constant 0 : i32
    %dma_start3A_7 = arith.constant 0 : i32
    %dma_start3A_8 = arith.constant 0 : i32
    %dma_start3A_9 = tpu.memref_slice %arg6[%dma_start3A, %dma_start3A_7, %dma_start3A_8] : memref<2x832x32xf32, #tpu.memory_space<vmem>> -> memref<1x832x32xf32, #tpu.memory_space<vmem>>
    %dma_start3A_10 = tpu.memref_squeeze %dma_start3A_9 : memref<1x832x32xf32, #tpu.memory_space<vmem>> -> memref<832x32xf32, #tpu.memory_space<vmem>>
    %dma_start3A_11 = arith.constant 0 : i32
    %dma_start3A_12 = tpu.memref_slice %arg5[%dma_start3A_11] : memref<3328xi32, #tpu.memory_space<vmem>> -> memref<832xi32, #tpu.memory_space<vmem>>
    %dma_start3A_13 = arith.constant 0 : i32
    %dma_start3A_14 = arith.constant 0 : i32
    %dma_start3A_15 = tpu.memref_slice %arg3[%dma_start3A_13, %dma_start3A_14] : memref<100001x32xf32, #tpu.memory_space<hbm>> -> memref<100001x32xf32, #tpu.memory_space<hbm>>
    tpu.enqueue_indirect_dma source(%dma_start3A_15 : memref<100001x32xf32, #tpu.memory_space<hbm>>) target(%dma_start3A_10 : memref<832x32xf32, #tpu.memory_space<vmem>>) offsets(%dma_start3A_12 : memref<832xi32, #tpu.memory_space<vmem>>) semaphore(%arg7 : memref<!tpu.dma_semaphore, #tpu.memory_space<semaphore_mem>>)
    %dma_start3A_16 = arith.constant 1 : i32
    %dma_start3A_17 = arith.constant 0 : i32
    %dma_start3A_18 = arith.constant 0 : i32
    %dma_start3A_19 = tpu.memref_slice %arg6[%dma_start3A_16, %dma_start3A_17, %dma_start3A_18] : memref<2x832x32xf32, #tpu.memory_space<vmem>> -> memref<1x832x32xf32, #tpu.memory_space<vmem>>
    %dma_start3A_20 = tpu.memref_squeeze %dma_start3A_19 : memref<1x832x32xf32, #tpu.memory_space<vmem>> -> memref<832x32xf32, #tpu.memory_space<vmem>>
    %dma_start3A_21 = arith.constant 832 : i32
    %dma_start3A_22 = tpu.memref_slice %arg5[%dma_start3A_21] : memref<3328xi32, #tpu.memory_space<vmem>> -> memref<832xi32, #tpu.memory_space<vmem>>
    %dma_start3A_23 = arith.constant 0 : i32
    %dma_start3A_24 = arith.constant 0 : i32
    %dma_start3A_25 = tpu.memref_slice %arg3[%dma_start3A_23, %dma_start3A_24] : memref<100001x32xf32, #tpu.memory_space<hbm>> -> memref<100001x32xf32, #tpu.memory_space<hbm>>
    tpu.enqueue_indirect_dma source(%dma_start3A_25 : memref<100001x32xf32, #tpu.memory_space<hbm>>) target(%dma_start3A_20 : memref<832x32xf32, #tpu.memory_space<vmem>>) offsets(%dma_start3A_22 : memref<832xi32, #tpu.memory_space<vmem>>) semaphore(%arg8 : memref<!tpu.dma_semaphore, #tpu.memory_space<semaphore_mem>>)
    %dma_wait3A = arith.constant 0 : i32
    %dma_wait3A_26 = arith.constant 0 : i32
    %dma_wait3A_27 = arith.constant 0 : i32
    %dma_wait3A_28 = tpu.memref_slice %arg6[%dma_wait3A, %dma_wait3A_26, %dma_wait3A_27] : memref<2x832x32xf32, #tpu.memory_space<vmem>> -> memref<1x832x32xf32, #tpu.memory_space<vmem>>
    %dma_wait3A_29 = tpu.memref_squeeze %dma_wait3A_28 : memref<1x832x32xf32, #tpu.memory_space<vmem>> -> memref<832x32xf32, #tpu.memory_space<vmem>>
    %dma_wait3A_30 = arith.constant 0 : i32
    %dma_wait3A_31 = tpu.memref_slice %arg5[%dma_wait3A_30] : memref<3328xi32, #tpu.memory_space<vmem>> -> memref<832xi32, #tpu.memory_space<vmem>>
    %dma_wait3A_32 = arith.constant 0 : i32
    %dma_wait3A_33 = arith.constant 0 : i32
    %dma_wait3A_34 = tpu.memref_slice %arg3[%dma_wait3A_32, %dma_wait3A_33] : memref<100001x32xf32, #tpu.memory_space<hbm>> -> memref<100001x32xf32, #tpu.memory_space<hbm>>
    tpu.wait_indirect_dma semaphore(%arg7 : memref<!tpu.dma_semaphore, #tpu.memory_space<semaphore_mem>>) src(%dma_wait3A_34 : memref<100001x32xf32, #tpu.memory_space<hbm>>) dst(%dma_wait3A_29 : memref<832x32xf32, #tpu.memory_space<vmem>>)
    %add3A_35 = arith.constant 0 : i32
    %add3A_36 = arith.addi %mul3A_6, %add3A_35 : i32
    %dma_start3A_37 = arith.constant 0 : i32
    %dma_start3A_38 = arith.constant 0 : i32
    %dma_start3A_39 = arith.constant 0 : i32
    %dma_start3A_40 = tpu.memref_slice %arg6[%dma_start3A_37, %dma_start3A_38, %dma_start3A_39] : memref<2x832x32xf32, #tpu.memory_space<vmem>> -> memref<1x832x32xf32, #tpu.memory_space<vmem>>
    %dma_start3A_41 = tpu.memref_squeeze %dma_start3A_40 : memref<1x832x32xf32, #tpu.memory_space<vmem>> -> memref<832x32xf32, #tpu.memory_space<vmem>>
    %dma_start3A_42 = arith.constant 0 : i32
    %dma_start3A_43 = tpu.memref_slice %arg4[%add3A_36, %dma_start3A_42] : memref<106496x32xf32, #tpu.memory_space<hbm>> -> memref<832x32xf32, #tpu.memory_space<hbm>>
    %dma_start3A_44 = arith.constant 0 : i32
    %dma_start3A_45 = tpu.memref_slice %arg4[%add3A_36, %dma_start3A_44] : memref<106496x32xf32, #tpu.memory_space<hbm>> -> memref<832x32xf32, #tpu.memory_space<hbm>>
    %dma_start3A_46 = arith.constant 0 : i32
    %dma_start3A_47 = arith.constant 0 : i32
    %dma_start3A_48 = tpu.memref_slice %arg6[%dma_start3A_37, %dma_start3A_46, %dma_start3A_47] : memref<2x832x32xf32, #tpu.memory_space<vmem>> -> memref<1x832x32xf32, #tpu.memory_space<vmem>>
    %dma_start3A_49 = tpu.memref_squeeze %dma_start3A_48 : memref<1x832x32xf32, #tpu.memory_space<vmem>> -> memref<832x32xf32, #tpu.memory_space<vmem>>
    tpu.enqueue_dma source(%dma_start3A_49 : memref<832x32xf32, #tpu.memory_space<vmem>>) target(%dma_start3A_45 : memref<832x32xf32, #tpu.memory_space<hbm>>) target_semaphore(%arg9 : memref<!tpu.dma_semaphore, #tpu.memory_space<semaphore_mem>>)
    %add3A_50 = arith.constant 0 : i32
    %add3A_51 = arith.addi %mul3A_6, %add3A_50 : i32
    %dma_wait3A_52 = arith.constant 0 : i32
    %dma_wait3A_53 = arith.constant 0 : i32
    %dma_wait3A_54 = arith.constant 0 : i32
    %dma_wait3A_55 = tpu.memref_slice %arg6[%dma_wait3A_52, %dma_wait3A_53, %dma_wait3A_54] : memref<2x832x32xf32, #tpu.memory_space<vmem>> -> memref<1x832x32xf32, #tpu.memory_space<vmem>>
    %dma_wait3A_56 = tpu.memref_squeeze %dma_wait3A_55 : memref<1x832x32xf32, #tpu.memory_space<vmem>> -> memref<832x32xf32, #tpu.memory_space<vmem>>
    %dma_wait3A_57 = arith.constant 0 : i32
    %dma_wait3A_58 = tpu.memref_slice %arg4[%add3A_51, %dma_wait3A_57] : memref<106496x32xf32, #tpu.memory_space<hbm>> -> memref<832x32xf32, #tpu.memory_space<hbm>>
    %dma_wait3A_59 = arith.constant 0 : i32
    %dma_wait3A_60 = tpu.memref_slice %arg4[%add3A_51, %dma_wait3A_59] : memref<106496x32xf32, #tpu.memory_space<hbm>> -> memref<832x32xf32, #tpu.memory_space<hbm>>
    %dma_wait3A_61 = arith.constant 0 : i32
    %dma_wait3A_62 = arith.constant 0 : i32
    %dma_wait3A_63 = tpu.memref_slice %arg6[%dma_wait3A_52, %dma_wait3A_61, %dma_wait3A_62] : memref<2x832x32xf32, #tpu.memory_space<vmem>> -> memref<1x832x32xf32, #tpu.memory_space<vmem>>
    %dma_wait3A_64 = tpu.memref_squeeze %dma_wait3A_63 : memref<1x832x32xf32, #tpu.memory_space<vmem>> -> memref<832x32xf32, #tpu.memory_space<vmem>>
    tpu.wait_dma2 semaphore(%arg9 : memref<!tpu.dma_semaphore, #tpu.memory_space<semaphore_mem>>) src(%dma_wait3A_64 : memref<832x32xf32, #tpu.memory_space<vmem>>) dst(%dma_wait3A_60 : memref<832x32xf32, #tpu.memory_space<hbm>>)
    %dma_start3A_65 = arith.constant 0 : i32
    %dma_start3A_66 = arith.constant 0 : i32
    %dma_start3A_67 = arith.constant 0 : i32
    %dma_start3A_68 = tpu.memref_slice %arg6[%dma_start3A_65, %dma_start3A_66, %dma_start3A_67] : memref<2x832x32xf32, #tpu.memory_space<vmem>> -> memref<1x832x32xf32, #tpu.memory_space<vmem>>
    %dma_start3A_69 = tpu.memref_squeeze %dma_start3A_68 : memref<1x832x32xf32, #tpu.memory_space<vmem>> -> memref<832x32xf32, #tpu.memory_space<vmem>>
    %dma_start3A_70 = arith.constant 1664 : i32
    %dma_start3A_71 = tpu.memref_slice %arg5[%dma_start3A_70] : memref<3328xi32, #tpu.memory_space<vmem>> -> memref<832xi32, #tpu.memory_space<vmem>>
    %dma_start3A_72 = arith.constant 0 : i32
    %dma_start3A_73 = arith.constant 0 : i32
    %dma_start3A_74 = tpu.memref_slice %arg3[%dma_start3A_72, %dma_start3A_73] : memref<100001x32xf32, #tpu.memory_space<hbm>> -> memref<100001x32xf32, #tpu.memory_space<hbm>>
    tpu.enqueue_indirect_dma source(%dma_start3A_74 : memref<100001x32xf32, #tpu.memory_space<hbm>>) target(%dma_start3A_69 : memref<832x32xf32, #tpu.memory_space<vmem>>) offsets(%dma_start3A_71 : memref<832xi32, #tpu.memory_space<vmem>>) semaphore(%arg7 : memref<!tpu.dma_semaphore, #tpu.memory_space<semaphore_mem>>)
    %dma_wait3A_75 = arith.constant 1 : i32
    %dma_wait3A_76 = arith.constant 0 : i32
    %dma_wait3A_77 = arith.constant 0 : i32
    %dma_wait3A_78 = tpu.memref_slice %arg6[%dma_wait3A_75, %dma_wait3A_76, %dma_wait3A_77] : memref<2x832x32xf32, #tpu.memory_space<vmem>> -> memref<1x832x32xf32, #tpu.memory_space<vmem>>
    %dma_wait3A_79 = tpu.memref_squeeze %dma_wait3A_78 : memref<1x832x32xf32, #tpu.memory_space<vmem>> -> memref<832x32xf32, #tpu.memory_space<vmem>>
    %dma_wait3A_80 = arith.constant 832 : i32
    %dma_wait3A_81 = tpu.memref_slice %arg5[%dma_wait3A_80] : memref<3328xi32, #tpu.memory_space<vmem>> -> memref<832xi32, #tpu.memory_space<vmem>>
    %dma_wait3A_82 = arith.constant 0 : i32
    %dma_wait3A_83 = arith.constant 0 : i32
    %dma_wait3A_84 = tpu.memref_slice %arg3[%dma_wait3A_82, %dma_wait3A_83] : memref<100001x32xf32, #tpu.memory_space<hbm>> -> memref<100001x32xf32, #tpu.memory_space<hbm>>
    tpu.wait_indirect_dma semaphore(%arg8 : memref<!tpu.dma_semaphore, #tpu.memory_space<semaphore_mem>>) src(%dma_wait3A_84 : memref<100001x32xf32, #tpu.memory_space<hbm>>) dst(%dma_wait3A_79 : memref<832x32xf32, #tpu.memory_space<vmem>>)
    %add3A_85 = arith.constant 832 : i32
    %add3A_86 = arith.addi %mul3A_6, %add3A_85 : i32
    %dma_start3A_87 = arith.constant 1 : i32
    %dma_start3A_88 = arith.constant 0 : i32
    %dma_start3A_89 = arith.constant 0 : i32
    %dma_start3A_90 = tpu.memref_slice %arg6[%dma_start3A_87, %dma_start3A_88, %dma_start3A_89] : memref<2x832x32xf32, #tpu.memory_space<vmem>> -> memref<1x832x32xf32, #tpu.memory_space<vmem>>
    %dma_start3A_91 = tpu.memref_squeeze %dma_start3A_90 : memref<1x832x32xf32, #tpu.memory_space<vmem>> -> memref<832x32xf32, #tpu.memory_space<vmem>>
    %dma_start3A_92 = arith.constant 0 : i32
    %dma_start3A_93 = tpu.memref_slice %arg4[%add3A_86, %dma_start3A_92] : memref<106496x32xf32, #tpu.memory_space<hbm>> -> memref<832x32xf32, #tpu.memory_space<hbm>>
    %dma_start3A_94 = arith.constant 0 : i32
    %dma_start3A_95 = tpu.memref_slice %arg4[%add3A_86, %dma_start3A_94] : memref<106496x32xf32, #tpu.memory_space<hbm>> -> memref<832x32xf32, #tpu.memory_space<hbm>>
    %dma_start3A_96 = arith.constant 0 : i32
    %dma_start3A_97 = arith.constant 0 : i32
    %dma_start3A_98 = tpu.memref_slice %arg6[%dma_start3A_87, %dma_start3A_96, %dma_start3A_97] : memref<2x832x32xf32, #tpu.memory_space<vmem>> -> memref<1x832x32xf32, #tpu.memory_space<vmem>>
    %dma_start3A_99 = tpu.memref_squeeze %dma_start3A_98 : memref<1x832x32xf32, #tpu.memory_space<vmem>> -> memref<832x32xf32, #tpu.memory_space<vmem>>
    tpu.enqueue_dma source(%dma_start3A_99 : memref<832x32xf32, #tpu.memory_space<vmem>>) target(%dma_start3A_95 : memref<832x32xf32, #tpu.memory_space<hbm>>) target_semaphore(%arg10 : memref<!tpu.dma_semaphore, #tpu.memory_space<semaphore_mem>>)
    %add3A_100 = arith.constant 832 : i32
    %add3A_101 = arith.addi %mul3A_6, %add3A_100 : i32
    %dma_wait3A_102 = arith.constant 1 : i32
    %dma_wait3A_103 = arith.constant 0 : i32
    %dma_wait3A_104 = arith.constant 0 : i32
    %dma_wait3A_105 = tpu.memref_slice %arg6[%dma_wait3A_102, %dma_wait3A_103, %dma_wait3A_104] : memref<2x832x32xf32, #tpu.memory_space<vmem>> -> memref<1x832x32xf32, #tpu.memory_space<vmem>>
    %dma_wait3A_106 = tpu.memref_squeeze %dma_wait3A_105 : memref<1x832x32xf32, #tpu.memory_space<vmem>> -> memref<832x32xf32, #tpu.memory_space<vmem>>
    %dma_wait3A_107 = arith.constant 0 : i32
    %dma_wait3A_108 = tpu.memref_slice %arg4[%add3A_101, %dma_wait3A_107] : memref<106496x32xf32, #tpu.memory_space<hbm>> -> memref<832x32xf32, #tpu.memory_space<hbm>>
    %dma_wait3A_109 = arith.constant 0 : i32
    %dma_wait3A_110 = tpu.memref_slice %arg4[%add3A_101, %dma_wait3A_109] : memref<106496x32xf32, #tpu.memory_space<hbm>> -> memref<832x32xf32, #tpu.memory_space<hbm>>
    %dma_wait3A_111 = arith.constant 0 : i32
    %dma_wait3A_112 = arith.constant 0 : i32
    %dma_wait3A_113 = tpu.memref_slice %arg6[%dma_wait3A_102, %dma_wait3A_111, %dma_wait3A_112] : memref<2x832x32xf32, #tpu.memory_space<vmem>> -> memref<1x832x32xf32, #tpu.memory_space<vmem>>
    %dma_wait3A_114 = tpu.memref_squeeze %dma_wait3A_113 : memref<1x832x32xf32, #tpu.memory_space<vmem>> -> memref<832x32xf32, #tpu.memory_space<vmem>>
    tpu.wait_dma2 semaphore(%arg10 : memref<!tpu.dma_semaphore, #tpu.memory_space<semaphore_mem>>) src(%dma_wait3A_114 : memref<832x32xf32, #tpu.memory_space<vmem>>) dst(%dma_wait3A_110 : memref<832x32xf32, #tpu.memory_space<hbm>>)
    %dma_start3A_115 = arith.constant 1 : i32
    %dma_start3A_116 = arith.constant 0 : i32
    %dma_start3A_117 = arith.constant 0 : i32
    %dma_start3A_118 = tpu.memref_slice %arg6[%dma_start3A_115, %dma_start3A_116, %dma_start3A_117] : memref<2x832x32xf32, #tpu.memory_space<vmem>> -> memref<1x832x32xf32, #tpu.memory_space<vmem>>
    %dma_start3A_119 = tpu.memref_squeeze %dma_start3A_118 : memref<1x832x32xf32, #tpu.memory_space<vmem>> -> memref<832x32xf32, #tpu.memory_space<vmem>>
    %dma_start3A_120 = arith.constant 2496 : i32
    %dma_start3A_121 = tpu.memref_slice %arg5[%dma_start3A_120] : memref<3328xi32, #tpu.memory_space<vmem>> -> memref<832xi32, #tpu.memory_space<vmem>>
    %dma_start3A_122 = arith.constant 0 : i32
    %dma_start3A_123 = arith.constant 0 : i32
    %dma_start3A_124 = tpu.memref_slice %arg3[%dma_start3A_122, %dma_start3A_123] : memref<100001x32xf32, #tpu.memory_space<hbm>> -> memref<100001x32xf32, #tpu.memory_space<hbm>>
    tpu.enqueue_indirect_dma source(%dma_start3A_124 : memref<100001x32xf32, #tpu.memory_space<hbm>>) target(%dma_start3A_119 : memref<832x32xf32, #tpu.memory_space<vmem>>) offsets(%dma_start3A_121 : memref<832xi32, #tpu.memory_space<vmem>>) semaphore(%arg8 : memref<!tpu.dma_semaphore, #tpu.memory_space<semaphore_mem>>)
    %dma_wait3A_125 = arith.constant 0 : i32
    %dma_wait3A_126 = arith.constant 0 : i32
    %dma_wait3A_127 = arith.constant 0 : i32
    %dma_wait3A_128 = tpu.memref_slice %arg6[%dma_wait3A_125, %dma_wait3A_126, %dma_wait3A_127] : memref<2x832x32xf32, #tpu.memory_space<vmem>> -> memref<1x832x32xf32, #tpu.memory_space<vmem>>
    %dma_wait3A_129 = tpu.memref_squeeze %dma_wait3A_128 : memref<1x832x32xf32, #tpu.memory_space<vmem>> -> memref<832x32xf32, #tpu.memory_space<vmem>>
    %dma_wait3A_130 = arith.constant 1664 : i32
    %dma_wait3A_131 = tpu.memref_slice %arg5[%dma_wait3A_130] : memref<3328xi32, #tpu.memory_space<vmem>> -> memref<832xi32, #tpu.memory_space<vmem>>
    %dma_wait3A_132 = arith.constant 0 : i32
    %dma_wait3A_133 = arith.constant 0 : i32
    %dma_wait3A_134 = tpu.memref_slice %arg3[%dma_wait3A_132, %dma_wait3A_133] : memref<100001x32xf32, #tpu.memory_space<hbm>> -> memref<100001x32xf32, #tpu.memory_space<hbm>>
    tpu.wait_indirect_dma semaphore(%arg7 : memref<!tpu.dma_semaphore, #tpu.memory_space<semaphore_mem>>) src(%dma_wait3A_134 : memref<100001x32xf32, #tpu.memory_space<hbm>>) dst(%dma_wait3A_129 : memref<832x32xf32, #tpu.memory_space<vmem>>)
    %add3A_135 = arith.constant 1664 : i32
    %add3A_136 = arith.addi %mul3A_6, %add3A_135 : i32
    %dma_start3A_137 = arith.constant 0 : i32
    %dma_start3A_138 = arith.constant 0 : i32
    %dma_start3A_139 = arith.constant 0 : i32
    %dma_start3A_140 = tpu.memref_slice %arg6[%dma_start3A_137, %dma_start3A_138, %dma_start3A_139] : memref<2x832x32xf32, #tpu.memory_space<vmem>> -> memref<1x832x32xf32, #tpu.memory_space<vmem>>
    %dma_start3A_141 = tpu.memref_squeeze %dma_start3A_140 : memref<1x832x32xf32, #tpu.memory_space<vmem>> -> memref<832x32xf32, #tpu.memory_space<vmem>>
    %dma_start3A_142 = arith.constant 0 : i32
    %dma_start3A_143 = tpu.memref_slice %arg4[%add3A_136, %dma_start3A_142] : memref<106496x32xf32, #tpu.memory_space<hbm>> -> memref<832x32xf32, #tpu.memory_space<hbm>>
    %dma_start3A_144 = arith.constant 0 : i32
    %dma_start3A_145 = tpu.memref_slice %arg4[%add3A_136, %dma_start3A_144] : memref<106496x32xf32, #tpu.memory_space<hbm>> -> memref<832x32xf32, #tpu.memory_space<hbm>>
    %dma_start3A_146 = arith.constant 0 : i32
    %dma_start3A_147 = arith.constant 0 : i32
    %dma_start3A_148 = tpu.memref_slice %arg6[%dma_start3A_137, %dma_start3A_146, %dma_start3A_147] : memref<2x832x32xf32, #tpu.memory_space<vmem>> -> memref<1x832x32xf32, #tpu.memory_space<vmem>>
    %dma_start3A_149 = tpu.memref_squeeze %dma_start3A_148 : memref<1x832x32xf32, #tpu.memory_space<vmem>> -> memref<832x32xf32, #tpu.memory_space<vmem>>
    tpu.enqueue_dma source(%dma_start3A_149 : memref<832x32xf32, #tpu.memory_space<vmem>>) target(%dma_start3A_145 : memref<832x32xf32, #tpu.memory_space<hbm>>) target_semaphore(%arg9 : memref<!tpu.dma_semaphore, #tpu.memory_space<semaphore_mem>>)
    %dma_wait3A_150 = arith.constant 1 : i32
    %dma_wait3A_151 = arith.constant 0 : i32
    %dma_wait3A_152 = arith.constant 0 : i32
    %dma_wait3A_153 = tpu.memref_slice %arg6[%dma_wait3A_150, %dma_wait3A_151, %dma_wait3A_152] : memref<2x832x32xf32, #tpu.memory_space<vmem>> -> memref<1x832x32xf32, #tpu.memory_space<vmem>>
    %dma_wait3A_154 = tpu.memref_squeeze %dma_wait3A_153 : memref<1x832x32xf32, #tpu.memory_space<vmem>> -> memref<832x32xf32, #tpu.memory_space<vmem>>
    %dma_wait3A_155 = arith.constant 2496 : i32
    %dma_wait3A_156 = tpu.memref_slice %arg5[%dma_wait3A_155] : memref<3328xi32, #tpu.memory_space<vmem>> -> memref<832xi32, #tpu.memory_space<vmem>>
    %dma_wait3A_157 = arith.constant 0 : i32
    %dma_wait3A_158 = arith.constant 0 : i32
    %dma_wait3A_159 = tpu.memref_slice %arg3[%dma_wait3A_157, %dma_wait3A_158] : memref<100001x32xf32, #tpu.memory_space<hbm>> -> memref<100001x32xf32, #tpu.memory_space<hbm>>
    tpu.wait_indirect_dma semaphore(%arg8 : memref<!tpu.dma_semaphore, #tpu.memory_space<semaphore_mem>>) src(%dma_wait3A_159 : memref<100001x32xf32, #tpu.memory_space<hbm>>) dst(%dma_wait3A_154 : memref<832x32xf32, #tpu.memory_space<vmem>>)
    %add3A_160 = arith.constant 2496 : i32
    %add3A_161 = arith.addi %mul3A_6, %add3A_160 : i32
    %dma_start3A_162 = arith.constant 1 : i32
    %dma_start3A_163 = arith.constant 0 : i32
    %dma_start3A_164 = arith.constant 0 : i32
    %dma_start3A_165 = tpu.memref_slice %arg6[%dma_start3A_162, %dma_start3A_163, %dma_start3A_164] : memref<2x832x32xf32, #tpu.memory_space<vmem>> -> memref<1x832x32xf32, #tpu.memory_space<vmem>>
    %dma_start3A_166 = tpu.memref_squeeze %dma_start3A_165 : memref<1x832x32xf32, #tpu.memory_space<vmem>> -> memref<832x32xf32, #tpu.memory_space<vmem>>
    %dma_start3A_167 = arith.constant 0 : i32
    %dma_start3A_168 = tpu.memref_slice %arg4[%add3A_161, %dma_start3A_167] : memref<106496x32xf32, #tpu.memory_space<hbm>> -> memref<832x32xf32, #tpu.memory_space<hbm>>
    %dma_start3A_169 = arith.constant 0 : i32
    %dma_start3A_170 = tpu.memref_slice %arg4[%add3A_161, %dma_start3A_169] : memref<106496x32xf32, #tpu.memory_space<hbm>> -> memref<832x32xf32, #tpu.memory_space<hbm>>
    %dma_start3A_171 = arith.constant 0 : i32
    %dma_start3A_172 = arith.constant 0 : i32
    %dma_start3A_173 = tpu.memref_slice %arg6[%dma_start3A_162, %dma_start3A_171, %dma_start3A_172] : memref<2x832x32xf32, #tpu.memory_space<vmem>> -> memref<1x832x32xf32, #tpu.memory_space<vmem>>
    %dma_start3A_174 = tpu.memref_squeeze %dma_start3A_173 : memref<1x832x32xf32, #tpu.memory_space<vmem>> -> memref<832x32xf32, #tpu.memory_space<vmem>>
    tpu.enqueue_dma source(%dma_start3A_174 : memref<832x32xf32, #tpu.memory_space<vmem>>) target(%dma_start3A_170 : memref<832x32xf32, #tpu.memory_space<hbm>>) target_semaphore(%arg10 : memref<!tpu.dma_semaphore, #tpu.memory_space<semaphore_mem>>)
    %add3A_175 = arith.constant 1664 : i32
    %add3A_176 = arith.addi %mul3A_6, %add3A_175 : i32
    %dma_wait3A_177 = arith.constant 0 : i32
    %dma_wait3A_178 = arith.constant 0 : i32
    %dma_wait3A_179 = arith.constant 0 : i32
    %dma_wait3A_180 = tpu.memref_slice %arg6[%dma_wait3A_177, %dma_wait3A_178, %dma_wait3A_179] : memref<2x832x32xf32, #tpu.memory_space<vmem>> -> memref<1x832x32xf32, #tpu.memory_space<vmem>>
    %dma_wait3A_181 = tpu.memref_squeeze %dma_wait3A_180 : memref<1x832x32xf32, #tpu.memory_space<vmem>> -> memref<832x32xf32, #tpu.memory_space<vmem>>
    %dma_wait3A_182 = arith.constant 0 : i32
    %dma_wait3A_183 = tpu.memref_slice %arg4[%add3A_176, %dma_wait3A_182] : memref<106496x32xf32, #tpu.memory_space<hbm>> -> memref<832x32xf32, #tpu.memory_space<hbm>>
    %dma_wait3A_184 = arith.constant 0 : i32
    %dma_wait3A_185 = tpu.memref_slice %arg4[%add3A_176, %dma_wait3A_184] : memref<106496x32xf32, #tpu.memory_space<hbm>> -> memref<832x32xf32, #tpu.memory_space<hbm>>
    %dma_wait3A_186 = arith.constant 0 : i32
    %dma_wait3A_187 = arith.constant 0 : i32
    %dma_wait3A_188 = tpu.memref_slice %arg6[%dma_wait3A_177, %dma_wait3A_186, %dma_wait3A_187] : memref<2x832x32xf32, #tpu.memory_space<vmem>> -> memref<1x832x32xf32, #tpu.memory_space<vmem>>
    %dma_wait3A_189 = tpu.memref_squeeze %dma_wait3A_188 : memref<1x832x32xf32, #tpu.memory_space<vmem>> -> memref<832x32xf32, #tpu.memory_space<vmem>>
    tpu.wait_dma2 semaphore(%arg9 : memref<!tpu.dma_semaphore, #tpu.memory_space<semaphore_mem>>) src(%dma_wait3A_189 : memref<832x32xf32, #tpu.memory_space<vmem>>) dst(%dma_wait3A_185 : memref<832x32xf32, #tpu.memory_space<hbm>>)
    %add3A_190 = arith.constant 2496 : i32
    %add3A_191 = arith.addi %mul3A_6, %add3A_190 : i32
    %dma_wait3A_192 = arith.constant 1 : i32
    %dma_wait3A_193 = arith.constant 0 : i32
    %dma_wait3A_194 = arith.constant 0 : i32
    %dma_wait3A_195 = tpu.memref_slice %arg6[%dma_wait3A_192, %dma_wait3A_193, %dma_wait3A_194] : memref<2x832x32xf32, #tpu.memory_space<vmem>> -> memref<1x832x32xf32, #tpu.memory_space<vmem>>
    %dma_wait3A_196 = tpu.memref_squeeze %dma_wait3A_195 : memref<1x832x32xf32, #tpu.memory_space<vmem>> -> memref<832x32xf32, #tpu.memory_space<vmem>>
    %dma_wait3A_197 = arith.constant 0 : i32
    %dma_wait3A_198 = tpu.memref_slice %arg4[%add3A_191, %dma_wait3A_197] : memref<106496x32xf32, #tpu.memory_space<hbm>> -> memref<832x32xf32, #tpu.memory_space<hbm>>
    %dma_wait3A_199 = arith.constant 0 : i32
    %dma_wait3A_200 = tpu.memref_slice %arg4[%add3A_191, %dma_wait3A_199] : memref<106496x32xf32, #tpu.memory_space<hbm>> -> memref<832x32xf32, #tpu.memory_space<hbm>>
    %dma_wait3A_201 = arith.constant 0 : i32
    %dma_wait3A_202 = arith.constant 0 : i32
    %dma_wait3A_203 = tpu.memref_slice %arg6[%dma_wait3A_192, %dma_wait3A_201, %dma_wait3A_202] : memref<2x832x32xf32, #tpu.memory_space<vmem>> -> memref<1x832x32xf32, #tpu.memory_space<vmem>>
    %dma_wait3A_204 = tpu.memref_squeeze %dma_wait3A_203 : memref<1x832x32xf32, #tpu.memory_space<vmem>> -> memref<832x32xf32, #tpu.memory_space<vmem>>
    tpu.wait_dma2 semaphore(%arg10 : memref<!tpu.dma_semaphore, #tpu.memory_space<semaphore_mem>>) src(%dma_wait3A_204 : memref<832x32xf32, #tpu.memory_space<vmem>>) dst(%dma_wait3A_200 : memref<832x32xf32, #tpu.memory_space<hbm>>)
    return
  }
}

</mosaic_0001>

<sc_bundles>
// kernel: _lookup.12.cloned.1.call-start
scs
__scs_entry_jumppad:
0x0: {  	(pc) =	sbr.rel $0x88, $3  }
0x1: {  	(tag) =	ssettag $0x0;
	lr =	simm.s32 $0x1  }
0x2: {  	[smem:$0x3F9F] =	sst lr;
	_ =	strace $0xD0000000  }
0x3: {  	_ = 	snop  }
0x4: {  	_ = 	snop  }
0x5: {  	_ = 	snop  }
0x6: {  	_ = 	snop  }
0x7: {  	_ = 	snop  }
__scs_overlays_trampoline_lowered:
0x8: {  	[smem:$0x3FAE] =	sst s0  }
0x9: {  	[smem:$0x3FAF] =	sst s1  }
0xa: {  	[smem:$0x3FB0] =	sst s2  }
0xb: {  	[smem:$0x3FB1] =	sst s3  }
0xc: {  	[smem:$0x3FB2] =	sst s4  }
0xd: {  	[smem:$0x3FB3] =	sst s5  }
0xe: {  	[smem:$0x3FB4] =	sst s6  }
0xf: {  	[smem:$0x3FB5] =	sst s7  }
0x10: {  	[smem:$0x3FB6] =	sst s8  }
0x11: {  	[smem:$0x3FB7] =	sst s9;
	s0 =	simm.s32 @!p0 $0x0  }
0x12: {  	s1 =	sld [smem:$0x3F9D];
	s0 =	simm.s32 @p0 $0x1  }
0x13: {  	[smem:$0x3FB8] =	sst s0;
	s0 =	simm.s32 @!p1 $0x0  }
0x14: {  	s2 =	sld [smem:$0x3F9C];
	s0 =	simm.s32 @p1 $0x1  }
0x15: {  	[smem:$0x3FB9] =	sst s0;
	s0 =	simm.s32 @!p2 $0x0  }
0x16: {  	s3 =	sld [smem:$0x3FDB];
	s0 =	simm.s32 @p2 $0x1  }
0x17: {  	s4 =	simm.s32 $0x1BF5;
	[smem:$0x3FBB] =	sst s0  }
0x18: {  	s0 =	sld [smem:$0x3F9E];
	_ =	swait.ge [sflag:s4], $0x0  }
0x19: {  	s7 =	sld [smem:$0x3F9F]  }
0x1a: {  	s8 =	sadd.s32 $0xFFFFE003, lr  }
0x1b: {  	s9 =	sadd.s32 $0xFFFFFEF7, lr;
	s5 =	simm.s32 $0xFFFFFFFF;
	p2 =	slt.u32 s8, $0xFFFFF086  }
0x1c: {  	p1 =	slt.u32 s9, $0xF7A;
	s5 =	simm.s32 @!p2 $0x0  }
0x1d: {  	s5 =	simm.s32 @p1 $0x1;
	p0 =	seq.s32 s7, s2  }
0x1e: {  	s7 =	smul.u32 @!p0 $0xF7A, s2;
	p2 =	seq.s32 @!p0 s5, $0x0  }
0x1f: {  	s9 =	smul.u32 $0xF7A, s1;
	s8 =	simm.s32 @!p0 $0x1BF5;
	p2 =	por !p2, p0  }
0x20: {  	[sflag:s8] =	ssyncset.s32 @!p0 $0xFFFFF086;
	s6 =	sadd.s32 @!p0 s3, s7;
	s7 =	simm.s32 @!p0 $0x108  }
0x21: {  	s3 =	sadd.s32 s3, s9;
	s6 =	sadd.s32 @!p0 $0x88, s6;
	s7 =	simm.s32 @p2 $0x1082  }
0x22: {  	[simem:s7], [sflag:s8] =	dma.local @!p0 [hbm:s6], $0xF7A  }
0x23: {  	s9 =	sor.u32 $0xD0000000, s2;
	s6 =	simm.s32 $0x108;
	_ =	swait.ge @!p0 [sflag:s8], $0x0  }
0x24: {  	s3 =	sadd.s32 $0x88, s3;
	s6 =	simm.s32 @!p1 $0x1082;
	[sflag:s4] =	ssyncset.s32 $0xFFFFF086  }
0x25: {  	[simem:s6], [sflag:s4] =	dma.local [hbm:s3], $0xF7A  }
0x26: {  	[smem:$0x3F9F] =	sst s1;
	(tag) =	ssettag s2;
	_ =	strace s9  }
0x27: {  	s1 =	sld [smem:$0x3FAF]  }
0x28: {  	s2 =	sld [smem:$0x3FB0]  }
0x29: {  	s4 =	sld [smem:$0x3FB2]  }
0x2a: {  	p0 =	seq.s32 s5, $0x0;
	s5 =	sld [smem:$0x3FB3]  }
0x2b: {  	s6 =	sld [smem:$0x3FB4]  }
0x2c: {  	s7 =	sld [smem:$0x3FB5]  }
0x2d: {  	s3 =	simm.s32 $0x108;
	s8 =	sld [smem:$0x3FB6]  }
0x2e: {  	s3 =	simm.s32 @!p0 $0x1082;
	s9 =	sld [smem:$0x3FB7]  }
0x2f: {  	lr =	sadd.s32 s0, s3;
	s0 =	sld [smem:$0x3FAE]  }
0x30: {  	s3 =	sld [smem:$0x3FB1]  }
0x31: {  	[smem:$0x3FBA] =	sst s10  }
0x32: {  	s10 =	sld [smem:$0x3FB8];
	_ =	sdelay $0x3  }
0x33: {  	p0 =	seq.s32 s10, $0x1;
	s10 =	sld [smem:$0x3FBA];
	_ =	sdelay $0x3  }
0x34: {  	[smem:$0x3FBA] =	sst s10  }
0x35: {  	s10 =	sld [smem:$0x3FB9];
	_ =	sdelay $0x3  }
0x36: {  	p1 =	seq.s32 s10, $0x1;
	s10 =	sld [smem:$0x3FBA];
	_ =	sdelay $0x3  }
0x37: {  	[smem:$0x3FBA] =	sst s10  }
0x38: {  	s10 =	sld [smem:$0x3FBB]  }
0x39: {  	_ = 	snop;
	(pc) =	sbr.ind lr, $3  }
0x3a: {  	_ = 	snop  }
0x3b: {  	_ = 	snop  }
0x3c: {  	p2 =	seq.s32 s10, $0x1;
	s10 =	sld [smem:$0x3FBA]  }
0x3d: {  	_ =	shalt  }
0x3e: {  	_ =	shalt  }
0x3f: {  	_ =	shalt  }
0x40: {  	_ =	shalt  }
0x41: {  	_ =	shalt  }
0x42: {  	_ =	shalt  }
0x43: {  	_ =	shalt  }
0x44: {  	_ =	shalt  }
0x45: {  	_ =	shalt  }
0x46: {  	_ =	shalt  }
0x47: {  	_ =	shalt  }
0x48: {  	_ =	shalt  }
0x49: {  	_ =	shalt  }
0x4a: {  	_ =	shalt  }
0x4b: {  	_ =	shalt  }
0x4c: {  	_ =	shalt  }
0x4d: {  	_ =	shalt  }
0x4e: {  	_ =	shalt  }
0x4f: {  	_ =	shalt  }
0x50: {  	_ =	shalt  }
0x51: {  	_ =	shalt  }
0x52: {  	_ =	shalt  }
0x53: {  	_ =	shalt  }
0x54: {  	_ =	shalt  }
0x55: {  	_ =	shalt  }
0x56: {  	_ =	shalt  }
0x57: {  	_ =	shalt  }
0x58: {  	_ =	shalt  }
0x59: {  	_ =	shalt  }
0x5a: {  	_ =	shalt  }
0x5b: {  	_ =	shalt  }
0x5c: {  	_ =	shalt  }
0x5d: {  	_ =	shalt  }
0x5e: {  	_ =	shalt  }
0x5f: {  	_ =	shalt  }
0x60: {  	_ =	shalt  }
0x61: {  	_ =	shalt  }
0x62: {  	_ =	shalt  }
0x63: {  	_ =	shalt  }
0x64: {  	_ =	shalt  }
0x65: {  	_ =	shalt  }
0x66: {  	_ =	shalt  }
0x67: {  	_ =	shalt  }
0x68: {  	_ =	shalt  }
0x69: {  	_ =	shalt  }
0x6a: {  	_ =	shalt  }
0x6b: {  	_ =	shalt  }
0x6c: {  	_ =	shalt  }
0x6d: {  	_ =	shalt  }
0x6e: {  	_ =	shalt  }
0x6f: {  	_ =	shalt  }
0x70: {  	_ =	shalt  }
0x71: {  	_ =	shalt  }
0x72: {  	_ =	shalt  }
0x73: {  	_ =	shalt  }
0x74: {  	_ =	shalt  }
0x75: {  	_ =	shalt  }
0x76: {  	_ =	shalt  }
0x77: {  	_ =	shalt  }
0x78: {  	_ =	shalt  }
0x79: {  	_ =	shalt  }
0x7a: {  	_ =	shalt  }
0x7b: {  	_ =	shalt  }
0x7c: {  	_ =	shalt  }
0x7d: {  	_ =	shalt  }
0x7e: {  	_ =	shalt  }
0x7f: {  	_ =	shalt  }
0x80: {  	_ =	shalt  }
0x81: {  	_ =	shalt  }
0x82: {  	_ =	shalt  }
0x83: {  	_ =	shalt  }
0x84: {  	_ =	shalt  }
0x85: {  	_ =	shalt  }
0x86: {  	_ =	shalt  }
0x87: {  	_ =	shalt  }
.Lfunc_end0:
.L_simem_size_0:
called_computation.2_lowered:
.L_overlay_start_0:
0x88: {  	s2 =	sld [smem:$0x3FD9]  }
0x89: {  	s3 =	sld [smem:$0x3FFE];
	_ =	sdelay $0x1  }
0x8a: {  	s1 =	srdreg.scid  }
0x8b: {  	s0 =	sand.u32 $0x1, s1  }
0x8c: {  	s17 =	sshll.u32 s0, $0xA;
	s2 =	sadd.s32 s3, s2  }
0x8d: {  	s2 =	sadd.s32 s2, s17  }
0x8e: {  	[smem:$0x3FC6] =	sst s2  }
0x8f: {  	_ = 	snop  }
0x90: {  	s18 =	sld [smem:$0x3FC9];
	(tm) =	ssettm $0x1  }
0x91: {  	s19 =	sld [smem:$0x3FFB];
	_ =	sdelay $0x3  }
0x92: {  	_ =	strace s19  }
0x93: {  	s2 =	sld [smem:$0x3FFC];
	_ =	sdelay $0x3  }
0x94: {  	_ =	strace s2  }
0x95: {  	s2 =	sld [smem:$0x3FFD];
	_ =	sdelay $0x3  }
0x96: {  	_ =	strace s2  }
0x97: {  	_ =	strace $0x8FFFFFFF  }
0x98: {  	s20 =	sld [smem:$0x3FDB];
	_ =	sdelay $0x1  }
0x99: {  	s4 =	simm.s32 $_scs_section_size  }
0x9a: {  	s5 =	simm.s32 $_size__tile_overlayer_lowered;
	s6 =	simm.s32 $_tile_overlayer_lowered  }
0x9b: {  	s7 =	simm.s32 $0x1BFF;
	s21 =	sshll.u32 s6, $0x1;
	s4 =	sadd.s32 s4, s20  }
0x9c: {  	s22 =	simm.s32 $0x0;
	s5 =	sshll.u32 s5, $0x1;
	s6 =	sadd.s32 s21, s4  }
0x9d: {  	[timem:s22], [sflag:s7] =	dma.local [hbm:s6], s5  }
0x9e: {  	_ =	swait.ge [sflag:s7], s5  }
0x9f: {  	s5 =	ssub.s32 $0x0, s5;
	[sflag:s7] =	ssyncset.done $0x0  }
0xa0: {  	[sflag:s7] =	ssyncadd.s32 s5;
	_ =	sdelay $0x1  }
0xa1: {  	s23 =	simm.s32 $0x1B8B  }
0xa2: {  	_ =	swait.ge [sflag:s23], $0x1  }
0xa3: {  	[sflag:s23] =	ssyncset.done $0x0  }
0xa4: {  	[sflag:s23] =	ssyncadd.s32 $0xFFFFFFFF  }
0xa5: {  	s5 =	sld [smem:$0x0]  }
0xa6: {  	s6 =	sand.u32 $0xFFFFFFFE, s1  }
0xa7: {  	p0 =	sne.s32 s1, s6  }
0xa8: {  	s6 =	sshll.u32 @p0 s6, $0xE  }
0xa9: {  	s6 =	sadd.s32 @p0 $0x11B8D, s6;
	s7 =	sshll.u32 @p0 s5, $0x11  }
0xaa: {  	s6 =	sor.u32 @p0 s7, s6  }
0xab: {  	[sflag:s6] =	ssyncadd.remote.s32 @p0 $0x1;
	_ =	sdelay $0x1  }
0xac: {  	s6 =	simm.s32 @p0 $0x1B8D  }
0xad: {  	_ =	swait.eq @p0 [sflag:s6], $0x1  }
0xae: {  	[sflag:s6] =	ssyncadd.s32 @p0 $0xFFFFFFFF  }
0xaf: {  	s7 =	sshll.u32 @!p0 s1, $0xE  }
0xb0: {  	s7 =	sor.u32 @!p0 $0x4000, s7;
	s6 =	simm.s32 @!p0 $0x1B8D  }
0xb1: {  	s5 =	sshll.u32 @!p0 s5, $0x11;
	s7 =	sadd.s32 @!p0 $0x11B8D, s7;
	_ =	swait.eq @!p0 [sflag:s6], $0x1  }
0xb2: {  	s5 =	sor.u32 @!p0 s5, s7;
	[sflag:s6] =	ssyncadd.s32 @!p0 $0xFFFFFFFF  }
0xb3: {  	s25 =	simm.s32 $0x1B8E;
	s24 =	sld [smem:$0x3FFE];
	[sflag:s5] =	ssyncadd.remote.s32 @!p0 $0x1  }
0xb4: {  	s26 =	simm.s32 $execute0_lowered;
	[smem:$0x3FD2] =	sst s25  }
0xb5: {  	s6 =	sshll.u32 s26, $0x1;
	_ =	strace $0x8000004C;
	[dreg:$0x1] =	wrdreg $0xFFFFFFFF  }
0xb6: {  	s28 =	simm.s32 $_size_execute0_lowered;
	s4 =	sadd.s32 s4, s6;
	[dreg:$0x0] =	wrdreg $0x0  }
0xb7: {  	s6 =	sshll.u32 s28, $0x1;
	[dreg:$0x2] =	wrdreg s4  }
0xb8: {  	[dreg:$0x3] =	wrdreg s6  }
0xb9: {  	[dreg:$0x4] =	wrdreg $0xC0  }
0xba: {  	_ =	task [dreg:s22], $0x5FFFF  }
0xbb: {  	[dreg:$0x1] =	wrdreg $0xFFFFFFFF  }
0xbc: {  	[dreg:$0x0] =	wrdreg $0x60  }
0xbd: {  	[dreg:$0x2] =	wrdreg s18  }
0xbe: {  	[dreg:$0x3] =	wrdreg s24  }
0xbf: {  	[dreg:$0x4] =	wrdreg $0xB  }
0xc0: {  	_ =	task.clear_ibuf [dreg:s22], $0x5FFFF;
	_ =	strace $0x9000004C  }
0xc1: {  	s29 =	simm.s32 $0xB;
	_ =	strace $0x8000004E  }
0xc2: {  	_ =	swait.ge [sflag:s29], $0x1  }
0xc3: {  	[sflag:s29] =	ssyncadd.s32 $0xFFFFFFFF  }
0xc4: {  	_ =	strace $0x9000004E  }
0xc5: {  	_ =	sfence  }
0xc6: {  	s30 =	sld [smem:$0x0];
	_ =	sdelay $0x2  }
0xc7: {  	s31 =	sshll.u32 s1, $0xD;
	s1 =	sshrl.u32 s1, $0x2  }
0xc8: {  	s4 =	sand.u32 $0x4000, s31;
	s1 =	sadd.s32 s1, s30  }
0xc9: {  	s0 =	sor.u32 s4, s0;
	s1 =	sshll.u32 s1, $0x11  }
0xca: {  	s0 =	sor.u32 s1, s0  }
0xcb: {  	s0 =	sadd.s32 $0x8F2B, s0  }
0xcc: {  	[sflag:s0] =	ssyncadd.remote.s32 $0x1  }
0xcd: {  	_ =	sfence.sel $0xFFFF  }
0xce: {  	[dreg:$0x0] =	wrdreg $0xFFFFFFFF;
	(pc) =	sbr.abs _section_cstart, $3  }
0xcf: {  	[dreg:$0x1] =	wrdreg $0xFFFFFFFF  }
0xd0: {  	_ =	task.clear_ibuf [dreg:s22], $0x2FFFF;
	_ =	strace $0x9FFFFFFF  }
0xd1: {  	(tm) =	ssettm $0x7FFFFFFF  }
tec
execute0_lowered:
.L_overlay_start_1:
0x0: {  	(tag) =	ssettag $0x1  }
0x1: {  	s1 =	srdreg.scid;
	s0 =	stileid.u32  }
0x2: {  	s18 =	sand.u32 $0x1, s1;
	s30 =	sshll.u32 s0, $0x1  }
0x3: {  	s12 =	sor.u32 s18, s30  }
0x4: {  	s3 =	rddreg [dreg:$0x0];
	s4 =	smul.u32 $0xD00, s12  }
0x5: {  	s10 =	rddreg [dreg:$0x1]  }
0x6: {  	s2 =	simm.s32 $0x0;
	s1 =	rddreg [dreg:$0x2];
	s4 =	sshrl.u32 s4, $0x3  }
0x7: {  	[smem:$0x7FF] =	sst s2;
	s3 =	sadd.s32 s3, s4  }
0x8: {  	_ =	strace $0x8000004D;
	s4 =	simm.s32 $0x5;
	s3 =	sadd.s32 $0x6800, s3  }
0x9: {  	[tilespmem:s2], [sflag:$0x5] =	stream.linear.gather [hbm4b:s3+s2], $0xD00, $0x38;
	[tilespmem:$0xDD00] =	vst v63  }
0xa: {  	_ =	swait.ge [sflag:s4], $0xD00  }
0xb: {  	s6 =	simm.s32 $0x340;
	[sflag:s4] =	ssyncset.done $0x0  }
0xc: {  	s7 =	simm.s32 $0xD00;
	s5 =	sadd.s32 $0x1000, s10;
	[sflag:s4] =	ssyncadd.s32 $0xFFFFF300  }
0xd: {  	[tilespmem:s7], [sflag:$0x1] =	stream.indirect.gather [hbm4b:s5+s6], $0x20, s2, s6, $0xb8;
	[tilespmem:$0xDD00] =	vst v63  }
0xe: {  	s8 =	simm.s32 $0x7500;
	s9 =	simm.s32 $0x1  }
0xf: {  	[tilespmem:s8], [sflag:$0x2] =	stream.indirect.gather [hbm4b:s5+s6], $0x20, s6, s6, $0xb8;
	[tilespmem:$0xDD00] =	vst v63  }
0x10: {  	s11 =	smul.u32 $0x3400, s12;
	_ =	swait.ge [sflag:s9], $0x6800  }
0x11: {  	s14 =	sadd.s32 $0x132C00, s10;
	[sflag:s9] =	ssyncset.done $0x0  }
0x12: {  	s10 =	sadd.s32 s14, s11;
	s11 =	simm.s32 $0x3;
	[sflag:s9] =	ssyncadd.s32 $0xFFFF9800  }
0x13: {  	[hbm4b:s10+s2] =	stream.linear.scatter [tilespmem:s7], [sflag:$0x3], $0x6800, $0x38;
	[tilespmem:$0xDD00] =	vst v63  }
0x14: {  	_ =	swait.ge [sflag:s11], $0x6800  }
0x15: {  	s13 =	simm.s32 $0x2;
	[sflag:s11] =	ssyncset.done $0x0  }
0x16: {  	s15 =	smul.u32 $0x1A000, s12;
	s12 =	simm.s32 $0x680;
	[sflag:s11] =	ssyncadd.s32 $0xFFFF9800  }
0x17: {  	[tilespmem:s7], [sflag:$0x1] =	stream.indirect.gather [hbm4b:s5+s6], $0x20, s12, s6, $0xb8;
	[tilespmem:$0xDD00] =	vst v63  }
0x18: {  	s15 =	sshrl.u32 s15, $0x3;
	_ =	swait.ge [sflag:s13], $0x6800  }
0x19: {  	s19 =	sadd.s32 s14, s15;
	[sflag:s13] =	ssyncset.done $0x0  }
0x1a: {  	s14 =	simm.s32 $0x4;
	s15 =	sadd.s32 $0xD00, s19;
	[sflag:s13] =	ssyncadd.s32 $0xFFFF9800  }
0x1b: {  	[hbm4b:s15+s2] =	stream.linear.scatter [tilespmem:s8], [sflag:$0x4], $0x6800, $0x38;
	[tilespmem:$0xDD00] =	vst v63  }
0x1c: {  	_ =	swait.ge [sflag:s14], $0x6800  }
0x1d: {  	[sflag:s14] =	ssyncset.done $0x0  }
0x1e: {  	s16 =	simm.s32 $0x9C0;
	[sflag:s14] =	ssyncadd.s32 $0xFFFF9800  }
0x1f: {  	[tilespmem:s8], [sflag:$0x2] =	stream.indirect.gather [hbm4b:s5+s6], $0x20, s16, s6, $0xb8;
	[tilespmem:$0xDD00] =	vst v63  }
0x20: {  	_ =	swait.ge [sflag:s9], $0x6800  }
0x21: {  	s20 =	ssub.s32 $0x2, s18;
	[sflag:s9] =	ssyncset.done $0x0  }
0x22: {  	s31 =	sshrl.u32 s20, $0x1;
	s17 =	sadd.s32 $0x1A00, s19;
	[sflag:s9] =	ssyncadd.s32 $0xFFFF9800  }
0x23: {  	[hbm4b:s17+s2] =	stream.linear.scatter [tilespmem:s7], [sflag:$0x3], $0x6800, $0x38;
	[tilespmem:$0xDD00] =	vst v63  }
0x24: {  	s18 =	sadd.s32 $0x2700, s19;
	s19 =	ssub.s32 s20, s31;
	_ =	swait.ge [sflag:s13], $0x6800  }
0x25: {  	s19 =	smax.u32 s19, $0x1;
	[sflag:s13] =	ssyncset.done $0x0  }
0x26: {  	p0 =	sne.s32 s19, $0x1;
	[sflag:s13] =	ssyncadd.s32 $0xFFFF9800  }
0x27: {  	[hbm4b:s18+s2] =	stream.linear.scatter [tilespmem:s8], [sflag:$0x4], $0x6800, $0x38;
	[tilespmem:$0xDD00] =	vst v63  }
.Ltmp0:
0x28: {  	_ =	swait.ge [sflag:s11], $0x6800;
	(pc) =	sbr.rel @!p0 .LBB2_2-.Ltmp0, $4  }
0x29: {  	[sflag:s11] =	ssyncset.done $0x0  }
0x2a: {  	[sflag:s11] =	ssyncadd.s32 $0xFFFF9800  }
0x2b: {  	_ =	swait.ge [sflag:s14], $0x6800  }
0x2c: {  	s19 =	sadd.s32 $0xFFFFFFFF, s19;
	[sflag:s14] =	ssyncset.done $0x0  }
.LBB2_1:
0x2d: {  	p0 =	sne.s32 s19, $0x1;
	s19 =	sadd.s32 $0xFFFFFFFF, s19;
	[sflag:s14] =	ssyncadd.s32 $0xFFFF9800  }
0x2e: {  	[tilespmem:s2], [sflag:$0x5] =	stream.linear.gather [hbm4b:s3+s2], $0xD00, $0x38;
	[tilespmem:$0xDD00] =	vst v63  }
0x2f: {  	_ =	swait.ge [sflag:s4], $0xD00  }
0x30: {  	[sflag:s4] =	ssyncset.done $0x0  }
0x31: {  	[sflag:s4] =	ssyncadd.s32 $0xFFFFF300  }
0x32: {  	[tilespmem:s7], [sflag:$0x1] =	stream.indirect.gather [hbm4b:s5+s6], $0x20, s2, s6, $0xb8;
	[tilespmem:$0xDD00] =	vst v63  }
0x33: {  	_ = 	snop  }
0x34: {  	[tilespmem:s8], [sflag:$0x2] =	stream.indirect.gather [hbm4b:s5+s6], $0x20, s6, s6, $0xb8;
	[tilespmem:$0xDD00] =	vst v63  }
0x35: {  	_ =	swait.ge [sflag:s9], $0x6800  }
0x36: {  	[sflag:s9] =	ssyncset.done $0x0  }
0x37: {  	[sflag:s9] =	ssyncadd.s32 $0xFFFF9800  }
0x38: {  	[hbm4b:s10+s2] =	stream.linear.scatter [tilespmem:s7], [sflag:$0x3], $0x6800, $0x38;
	[tilespmem:$0xDD00] =	vst v63  }
0x39: {  	_ =	swait.ge [sflag:s11], $0x6800  }
0x3a: {  	[sflag:s11] =	ssyncset.done $0x0  }
0x3b: {  	[sflag:s11] =	ssyncadd.s32 $0xFFFF9800  }
0x3c: {  	[tilespmem:s7], [sflag:$0x1] =	stream.indirect.gather [hbm4b:s5+s6], $0x20, s12, s6, $0xb8;
	[tilespmem:$0xDD00] =	vst v63  }
0x3d: {  	_ =	swait.ge [sflag:s13], $0x6800  }
0x3e: {  	[sflag:s13] =	ssyncset.done $0x0  }
0x3f: {  	[sflag:s13] =	ssyncadd.s32 $0xFFFF9800  }
0x40: {  	[hbm4b:s15+s2] =	stream.linear.scatter [tilespmem:s8], [sflag:$0x4], $0x6800, $0x38;
	[tilespmem:$0xDD00] =	vst v63  }
0x41: {  	_ =	swait.ge [sflag:s14], $0x6800  }
0x42: {  	[sflag:s14] =	ssyncset.done $0x0  }
0x43: {  	[sflag:s14] =	ssyncadd.s32 $0xFFFF9800  }
0x44: {  	[tilespmem:s8], [sflag:$0x2] =	stream.indirect.gather [hbm4b:s5+s6], $0x20, s16, s6, $0xb8;
	[tilespmem:$0xDD00] =	vst v63  }
0x45: {  	_ =	swait.ge [sflag:s9], $0x6800  }
0x46: {  	[sflag:s9] =	ssyncset.done $0x0  }
0x47: {  	[sflag:s9] =	ssyncadd.s32 $0xFFFF9800  }
0x48: {  	[hbm4b:s17+s2] =	stream.linear.scatter [tilespmem:s7], [sflag:$0x3], $0x6800, $0x38;
	[tilespmem:$0xDD00] =	vst v63  }
0x49: {  	_ =	swait.ge [sflag:s13], $0x6800  }
0x4a: {  	[sflag:s13] =	ssyncset.done $0x0  }
0x4b: {  	[sflag:s13] =	ssyncadd.s32 $0xFFFF9800  }
0x4c: {  	[hbm4b:s18+s2] =	stream.linear.scatter [tilespmem:s8], [sflag:$0x4], $0x6800, $0x38;
	[tilespmem:$0xDD00] =	vst v63  }
.Ltmp1:
0x4d: {  	_ =	swait.ge [sflag:s11], $0x6800;
	(pc) =	sbr.rel @p0 .LBB2_1-.Ltmp1, $4  }
0x4e: {  	[sflag:s11] =	ssyncset.done $0x0  }
0x4f: {  	[sflag:s11] =	ssyncadd.s32 $0xFFFF9800  }
0x50: {  	_ =	swait.ge [sflag:s14], $0x6800  }
0x51: {  	[sflag:s14] =	ssyncset.done $0x0  }
.LBB2_2:
0x52: {  	[sflag:s14] =	ssyncadd.s32 $0xFFFF9800  }
0x53: {  	_ =	sfence.sel $0x180000  }
0x54: {  	[bflag:$0x0] =	sbarrier.arrive $0xFFFF  }
0x55: {  	p0 =	sne.s32 s0, $0x0;
	_ =	strace $0x9000004D  }
0x56: {  	s0 =	sadd.s32 @!p0 $0x100000, s1;
	[bflag:$0x2] =	sbarrier.arrive $0xFFFF  }
0x57: {  	[sflag:s0] =	ssyncadd.tile.s32 @!p0 $0x1;
	_ =	shalt  }
.Lfunc_end2:
_tile_overlayer_lowered:
.L_overlay_start_2:
0x58: {  	(tag) =	ssettag $0x2  }
0x59: {  	s0 =	rddreg [dreg:$0x0];
	s2 =	stileid.u32  }
0x5a: {  	s1 =	rddreg [dreg:$0x1];
	p0 =	sne.s32 s2, $0x0  }
0x5b: {  	s3 =	rddreg [dreg:$0x2];
	[bflag:$0x3] =	sbarrier.arrive $0xFFFF;
	s2 =	simm.s32 @!p0 $0x1C05  }
0x5c: {  	[timem:s3], [sflag:s2] =	dma.local @!p0 [hbm:s0], s1  }
0x5d: {  	s0 =	simm.s32 @!p0 $0x5  }
0x5e: {  	_ =	swait.ge @!p0 [sflag:s0], s1  }
0x5f: {  	s1 =	ssub.s32 @!p0 $0x0, s1;
	[sflag:s0] =	ssyncset.done @!p0 $0x0  }
0x60: {  	[sflag:s0] =	ssyncadd.s32 @!p0 s1  }
0x61: {  	[bflag:$0x3] =	sbarrier.arrive $0xFFFF  }
0x62: {  	_ =	shalt  }

// kernel: _lookup.15.cloned.1.call-start
scs
__scs_entry_jumppad:
0x0: {  	(pc) =	sbr.rel $0x88, $3  }
0x1: {  	(tag) =	ssettag $0x0;
	lr =	simm.s32 $0x1  }
0x2: {  	[smem:$0x3F9F] =	sst lr;
	_ =	strace $0xD0000000  }
0x3: {  	_ = 	snop  }
0x4: {  	_ = 	snop  }
0x5: {  	_ = 	snop  }
0x6: {  	_ = 	snop  }
0x7: {  	_ = 	snop  }
__scs_overlays_trampoline_lowered:
0x8: {  	[smem:$0x3FAE] =	sst s0  }
0x9: {  	[smem:$0x3FAF] =	sst s1  }
0xa: {  	[smem:$0x3FB0] =	sst s2  }
0xb: {  	[smem:$0x3FB1] =	sst s3  }
0xc: {  	[smem:$0x3FB2] =	sst s4  }
0xd: {  	[smem:$0x3FB3] =	sst s5  }
0xe: {  	[smem:$0x3FB4] =	sst s6  }
0xf: {  	[smem:$0x3FB5] =	sst s7  }
0x10: {  	[smem:$0x3FB6] =	sst s8  }
0x11: {  	[smem:$0x3FB7] =	sst s9;
	s0 =	simm.s32 @!p0 $0x0  }
0x12: {  	s1 =	sld [smem:$0x3F9D];
	s0 =	simm.s32 @p0 $0x1  }
0x13: {  	[smem:$0x3FB8] =	sst s0;
	s0 =	simm.s32 @!p1 $0x0  }
0x14: {  	s2 =	sld [smem:$0x3F9C];
	s0 =	simm.s32 @p1 $0x1  }
0x15: {  	[smem:$0x3FB9] =	sst s0;
	s0 =	simm.s32 @!p2 $0x0  }
0x16: {  	s3 =	sld [smem:$0x3FDB];
	s0 =	simm.s32 @p2 $0x1  }
0x17: {  	s4 =	simm.s32 $0x1BF5;
	[smem:$0x3FBB] =	sst s0  }
0x18: {  	s0 =	sld [smem:$0x3F9E];
	_ =	swait.ge [sflag:s4], $0x0  }
0x19: {  	s7 =	sld [smem:$0x3F9F]  }
0x1a: {  	s8 =	sadd.s32 $0xFFFFE003, lr  }
0x1b: {  	s9 =	sadd.s32 $0xFFFFFEF7, lr;
	s5 =	simm.s32 $0xFFFFFFFF;
	p2 =	slt.u32 s8, $0xFFFFF086  }
0x1c: {  	p1 =	slt.u32 s9, $0xF7A;
	s5 =	simm.s32 @!p2 $0x0  }
0x1d: {  	s5 =	simm.s32 @p1 $0x1;
	p0 =	seq.s32 s7, s2  }
0x1e: {  	s7 =	smul.u32 @!p0 $0xF7A, s2;
	p2 =	seq.s32 @!p0 s5, $0x0  }
0x1f: {  	s9 =	smul.u32 $0xF7A, s1;
	s8 =	simm.s32 @!p0 $0x1BF5;
	p2 =	por !p2, p0  }
0x20: {  	[sflag:s8] =	ssyncset.s32 @!p0 $0xFFFFF086;
	s6 =	sadd.s32 @!p0 s3, s7;
	s7 =	simm.s32 @!p0 $0x108  }
0x21: {  	s3 =	sadd.s32 s3, s9;
	s6 =	sadd.s32 @!p0 $0x88, s6;
	s7 =	simm.s32 @p2 $0x1082  }
0x22: {  	[simem:s7], [sflag:s8] =	dma.local @!p0 [hbm:s6], $0xF7A  }
0x23: {  	s9 =	sor.u32 $0xD0000000, s2;
	s6 =	simm.s32 $0x108;
	_ =	swait.ge @!p0 [sflag:s8], $0x0  }
0x24: {  	s3 =	sadd.s32 $0x88, s3;
	s6 =	simm.s32 @!p1 $0x1082;
	[sflag:s4] =	ssyncset.s32 $0xFFFFF086  }
0x25: {  	[simem:s6], [sflag:s4] =	dma.local [hbm:s3], $0xF7A  }
0x26: {  	[smem:$0x3F9F] =	sst s1;
	(tag) =	ssettag s2;
	_ =	strace s9  }
0x27: {  	s1 =	sld [smem:$0x3FAF]  }
0x28: {  	s2 =	sld [smem:$0x3FB0]  }
0x29: {  	s4 =	sld [smem:$0x3FB2]  }
0x2a: {  	p0 =	seq.s32 s5, $0x0;
	s5 =	sld [smem:$0x3FB3]  }
0x2b: {  	s6 =	sld [smem:$0x3FB4]  }
0x2c: {  	s7 =	sld [smem:$0x3FB5]  }
0x2d: {  	s3 =	simm.s32 $0x108;
	s8 =	sld [smem:$0x3FB6]  }
0x2e: {  	s3 =	simm.s32 @!p0 $0x1082;
	s9 =	sld [smem:$0x3FB7]  }
0x2f: {  	lr =	sadd.s32 s0, s3;
	s0 =	sld [smem:$0x3FAE]  }
0x30: {  	s3 =	sld [smem:$0x3FB1]  }
0x31: {  	[smem:$0x3FBA] =	sst s10  }
0x32: {  	s10 =	sld [smem:$0x3FB8];
	_ =	sdelay $0x3  }
0x33: {  	p0 =	seq.s32 s10, $0x1;
	s10 =	sld [smem:$0x3FBA];
	_ =	sdelay $0x3  }
0x34: {  	[smem:$0x3FBA] =	sst s10  }
0x35: {  	s10 =	sld [smem:$0x3FB9];
	_ =	sdelay $0x3  }
0x36: {  	p1 =	seq.s32 s10, $0x1;
	s10 =	sld [smem:$0x3FBA];
	_ =	sdelay $0x3  }
0x37: {  	[smem:$0x3FBA] =	sst s10  }
0x38: {  	s10 =	sld [smem:$0x3FBB]  }
0x39: {  	_ = 	snop;
	(pc) =	sbr.ind lr, $3  }
0x3a: {  	_ = 	snop  }
0x3b: {  	_ = 	snop  }
0x3c: {  	p2 =	seq.s32 s10, $0x1;
	s10 =	sld [smem:$0x3FBA]  }
0x3d: {  	_ =	shalt  }
0x3e: {  	_ =	shalt  }
0x3f: {  	_ =	shalt  }
0x40: {  	_ =	shalt  }
0x41: {  	_ =	shalt  }
0x42: {  	_ =	shalt  }
0x43: {  	_ =	shalt  }
0x44: {  	_ =	shalt  }
0x45: {  	_ =	shalt  }
0x46: {  	_ =	shalt  }
0x47: {  	_ =	shalt  }
0x48: {  	_ =	shalt  }
0x49: {  	_ =	shalt  }
0x4a: {  	_ =	shalt  }
0x4b: {  	_ =	shalt  }
0x4c: {  	_ =	shalt  }
0x4d: {  	_ =	shalt  }
0x4e: {  	_ =	shalt  }
0x4f: {  	_ =	shalt  }
0x50: {  	_ =	shalt  }
0x51: {  	_ =	shalt  }
0x52: {  	_ =	shalt  }
0x53: {  	_ =	shalt  }
0x54: {  	_ =	shalt  }
0x55: {  	_ =	shalt  }
0x56: {  	_ =	shalt  }
0x57: {  	_ =	shalt  }
0x58: {  	_ =	shalt  }
0x59: {  	_ =	shalt  }
0x5a: {  	_ =	shalt  }
0x5b: {  	_ =	shalt  }
0x5c: {  	_ =	shalt  }
0x5d: {  	_ =	shalt  }
0x5e: {  	_ =	shalt  }
0x5f: {  	_ =	shalt  }
0x60: {  	_ =	shalt  }
0x61: {  	_ =	shalt  }
0x62: {  	_ =	shalt  }
0x63: {  	_ =	shalt  }
0x64: {  	_ =	shalt  }
0x65: {  	_ =	shalt  }
0x66: {  	_ =	shalt  }
0x67: {  	_ =	shalt  }
0x68: {  	_ =	shalt  }
0x69: {  	_ =	shalt  }
0x6a: {  	_ =	shalt  }
0x6b: {  	_ =	shalt  }
0x6c: {  	_ =	shalt  }
0x6d: {  	_ =	shalt  }
0x6e: {  	_ =	shalt  }
0x6f: {  	_ =	shalt  }
0x70: {  	_ =	shalt  }
0x71: {  	_ =	shalt  }
0x72: {  	_ =	shalt  }
0x73: {  	_ =	shalt  }
0x74: {  	_ =	shalt  }
0x75: {  	_ =	shalt  }
0x76: {  	_ =	shalt  }
0x77: {  	_ =	shalt  }
0x78: {  	_ =	shalt  }
0x79: {  	_ =	shalt  }
0x7a: {  	_ =	shalt  }
0x7b: {  	_ =	shalt  }
0x7c: {  	_ =	shalt  }
0x7d: {  	_ =	shalt  }
0x7e: {  	_ =	shalt  }
0x7f: {  	_ =	shalt  }
0x80: {  	_ =	shalt  }
0x81: {  	_ =	shalt  }
0x82: {  	_ =	shalt  }
0x83: {  	_ =	shalt  }
0x84: {  	_ =	shalt  }
0x85: {  	_ =	shalt  }
0x86: {  	_ =	shalt  }
0x87: {  	_ =	shalt  }
.Lfunc_end0:
.L_simem_size_0:
called_computation.3_lowered:
.L_overlay_start_0:
0x88: {  	s2 =	sld [smem:$0x3FD9]  }
0x89: {  	s3 =	sld [smem:$0x3FFE];
	_ =	sdelay $0x1  }
0x8a: {  	s1 =	srdreg.scid  }
0x8b: {  	s0 =	sand.u32 $0x1, s1  }
0x8c: {  	s17 =	sshll.u32 s0, $0xA;
	s2 =	sadd.s32 s3, s2  }
0x8d: {  	s2 =	sadd.s32 s2, s17  }
0x8e: {  	[smem:$0x3FC6] =	sst s2  }
0x8f: {  	_ = 	snop  }
0x90: {  	s4 =	sld [smem:$0x3FC9]  }
0x91: {  	s18 =	sld [smem:$0x3FD0];
	(tm) =	ssettm $0x1  }
0x92: {  	s19 =	sld [smem:$0x3FFB];
	_ =	sdelay $0x3  }
0x93: {  	_ =	strace s19  }
0x94: {  	s2 =	sld [smem:$0x3FFC];
	_ =	sdelay $0x3  }
0x95: {  	_ =	strace s2  }
0x96: {  	s2 =	sld [smem:$0x3FFD];
	_ =	sdelay $0x3  }
0x97: {  	_ =	strace s2  }
0x98: {  	_ =	strace $0x8FFFFFFF  }
0x99: {  	s20 =	sld [smem:$0x3FDB];
	_ =	sdelay $0x1  }
0x9a: {  	s5 =	simm.s32 $_scs_section_size  }
0x9b: {  	s6 =	simm.s32 $_size__tile_overlayer_lowered;
	s7 =	simm.s32 $_tile_overlayer_lowered  }
0x9c: {  	s8 =	simm.s32 $0x1BFF;
	s21 =	sshll.u32 s7, $0x1;
	s5 =	sadd.s32 s5, s20  }
0x9d: {  	s22 =	simm.s32 $0x0;
	s6 =	sshll.u32 s6, $0x1;
	s7 =	sadd.s32 s21, s5  }
0x9e: {  	[timem:s22], [sflag:s8] =	dma.local [hbm:s7], s6  }
0x9f: {  	_ =	swait.ge [sflag:s8], s6  }
0xa0: {  	s6 =	ssub.s32 $0x0, s6;
	[sflag:s8] =	ssyncset.done $0x0  }
0xa1: {  	[sflag:s8] =	ssyncadd.s32 s6;
	_ =	sdelay $0x1  }
0xa2: {  	s23 =	simm.s32 $0x1B8B  }
0xa3: {  	_ =	swait.ge [sflag:s23], $0x1  }
0xa4: {  	[sflag:s23] =	ssyncset.done $0x0  }
0xa5: {  	[sflag:s23] =	ssyncadd.s32 $0xFFFFFFFF  }
0xa6: {  	s6 =	sld [smem:$0x0]  }
0xa7: {  	s7 =	sand.u32 $0xFFFFFFFE, s1  }
0xa8: {  	p0 =	sne.s32 s1, s7  }
0xa9: {  	s7 =	sshll.u32 @p0 s7, $0xE  }
0xaa: {  	s7 =	sadd.s32 @p0 $0x11B8D, s7;
	s8 =	sshll.u32 @p0 s6, $0x11  }
0xab: {  	s7 =	sor.u32 @p0 s8, s7  }
0xac: {  	[sflag:s7] =	ssyncadd.remote.s32 @p0 $0x1;
	_ =	sdelay $0x1  }
0xad: {  	s7 =	simm.s32 @p0 $0x1B8D  }
0xae: {  	_ =	swait.eq @p0 [sflag:s7], $0x1  }
0xaf: {  	[sflag:s7] =	ssyncadd.s32 @p0 $0xFFFFFFFF  }
0xb0: {  	s8 =	sshll.u32 @!p0 s1, $0xE  }
0xb1: {  	s8 =	sor.u32 @!p0 $0x4000, s8;
	s7 =	simm.s32 @!p0 $0x1B8D  }
0xb2: {  	s6 =	sshll.u32 @!p0 s6, $0x11;
	s8 =	sadd.s32 @!p0 $0x11B8D, s8;
	_ =	swait.eq @!p0 [sflag:s7], $0x1  }
0xb3: {  	s6 =	sor.u32 @!p0 s6, s8;
	[sflag:s7] =	ssyncadd.s32 @!p0 $0xFFFFFFFF  }
0xb4: {  	s25 =	simm.s32 $0x1B8E;
	s24 =	sld [smem:$0x3FFE];
	[sflag:s6] =	ssyncadd.remote.s32 @!p0 $0x1  }
0xb5: {  	s26 =	simm.s32 $execute0_lowered;
	[smem:$0x3FD2] =	sst s25  }
0xb6: {  	s7 =	sshll.u32 s26, $0x1;
	_ =	strace $0x8000004F;
	[dreg:$0x1] =	wrdreg $0xFFFFFFFF  }
0xb7: {  	s28 =	simm.s32 $_size_execute0_lowered;
	s5 =	sadd.s32 s5, s7;
	[dreg:$0x0] =	wrdreg $0x0  }
0xb8: {  	s7 =	sshll.u32 s28, $0x1;
	[dreg:$0x2] =	wrdreg s5  }
0xb9: {  	[dreg:$0x3] =	wrdreg s7  }
0xba: {  	[dreg:$0x4] =	wrdreg $0xC0  }
0xbb: {  	_ =	task [dreg:s22], $0x5FFFF  }
0xbc: {  	[dreg:$0x1] =	wrdreg $0xFFFFFFFF  }
0xbd: {  	[dreg:$0x0] =	wrdreg $0x60  }
0xbe: {  	[dreg:$0x2] =	wrdreg s4  }
0xbf: {  	[dreg:$0x3] =	wrdreg s24  }
0xc0: {  	[dreg:$0x4] =	wrdreg s18  }
0xc1: {  	[dreg:$0x5] =	wrdreg $0xC  }
0xc2: {  	_ =	task.clear_ibuf [dreg:s22], $0x6FFFF;
	_ =	strace $0x9000004F  }
0xc3: {  	s29 =	simm.s32 $0xC;
	_ =	strace $0x80000051  }
0xc4: {  	_ =	swait.ge [sflag:s29], $0x1  }
0xc5: {  	[sflag:s29] =	ssyncadd.s32 $0xFFFFFFFF  }
0xc6: {  	_ =	strace $0x90000051  }
0xc7: {  	_ =	sfence  }
0xc8: {  	s30 =	sld [smem:$0x0];
	_ =	sdelay $0x2  }
0xc9: {  	s31 =	sshll.u32 s1, $0xD;
	s1 =	sshrl.u32 s1, $0x2  }
0xca: {  	s4 =	sand.u32 $0x4000, s31;
	s1 =	sadd.s32 s1, s30  }
0xcb: {  	s0 =	sor.u32 s4, s0;
	s1 =	sshll.u32 s1, $0x11  }
0xcc: {  	s0 =	sor.u32 s1, s0  }
0xcd: {  	s0 =	sadd.s32 $0x8F2B, s0  }
0xce: {  	[sflag:s0] =	ssyncadd.remote.s32 $0x1  }
0xcf: {  	_ =	sfence.sel $0xFFFF  }
0xd0: {  	[dreg:$0x0] =	wrdreg $0xFFFFFFFF;
	(pc) =	sbr.abs _section_cstart, $3  }
0xd1: {  	[dreg:$0x1] =	wrdreg $0xFFFFFFFF  }
0xd2: {  	_ =	task.clear_ibuf [dreg:s22], $0x2FFFF;
	_ =	strace $0x9FFFFFFF  }
0xd3: {  	(tm) =	ssettm $0x7FFFFFFF  }
tec
execute0_lowered:
.L_overlay_start_1:
0x0: {  	(tag) =	ssettag $0x1  }
0x1: {  	s1 =	srdreg.scid;
	s0 =	stileid.u32  }
0x2: {  	s18 =	sand.u32 $0x1, s1;
	s30 =	sshll.u32 s0, $0x1  }
0x3: {  	s3 =	rddreg [dreg:$0x0];
	s12 =	sor.u32 s18, s30  }
0x4: {  	s5 =	rddreg [dreg:$0x1];
	s4 =	smul.u32 $0xD00, s12  }
0x5: {  	s14 =	rddreg [dreg:$0x2]  }
0x6: {  	s2 =	simm.s32 $0x0;
	s1 =	rddreg [dreg:$0x3];
	s4 =	sshrl.u32 s4, $0x3  }
0x7: {  	[smem:$0x7FF] =	sst s2;
	s3 =	sadd.s32 s3, s4  }
0x8: {  	_ =	strace $0x80000050;
	s4 =	simm.s32 $0x5;
	s3 =	sadd.s32 $0x9C00, s3  }
0x9: {  	[tilespmem:s2], [sflag:$0x5] =	stream.linear.gather [hbm4b:s3+s2], $0xD00, $0x38;
	[tilespmem:$0xDD00] =	vst v63  }
0xa: {  	_ =	swait.ge [sflag:s4], $0xD00  }
0xb: {  	s6 =	simm.s32 $0x340;
	[sflag:s4] =	ssyncset.done $0x0  }
0xc: {  	s7 =	simm.s32 $0xD00;
	s5 =	sadd.s32 $0x1000, s5;
	[sflag:s4] =	ssyncadd.s32 $0xFFFFF300  }
0xd: {  	[tilespmem:s7], [sflag:$0x1] =	stream.indirect.gather [hbm4b:s5+s6], $0x20, s2, s6, $0xb8;
	[tilespmem:$0xDD00] =	vst v63  }
0xe: {  	s8 =	simm.s32 $0x7500;
	s9 =	simm.s32 $0x1  }
0xf: {  	[tilespmem:s8], [sflag:$0x2] =	stream.indirect.gather [hbm4b:s5+s6], $0x20, s6, s6, $0xb8;
	[tilespmem:$0xDD00] =	vst v63  }
0x10: {  	s10 =	smul.u32 $0x3400, s12;
	_ =	swait.ge [sflag:s9], $0x6800  }
0x11: {  	[sflag:s9] =	ssyncset.done $0x0  }
0x12: {  	s11 =	simm.s32 $0x3;
	s10 =	sadd.s32 s14, s10;
	[sflag:s9] =	ssyncadd.s32 $0xFFFF9800  }
0x13: {  	[hbm4b:s10+s2] =	stream.linear.scatter [tilespmem:s7], [sflag:$0x3], $0x6800, $0x38;
	[tilespmem:$0xDD00] =	vst v63  }
0x14: {  	_ =	swait.ge [sflag:s11], $0x6800  }
0x15: {  	s13 =	simm.s32 $0x2;
	[sflag:s11] =	ssyncset.done $0x0  }
0x16: {  	s15 =	smul.u32 $0x1A000, s12;
	s12 =	simm.s32 $0x680;
	[sflag:s11] =	ssyncadd.s32 $0xFFFF9800  }
0x17: {  	[tilespmem:s7], [sflag:$0x1] =	stream.indirect.gather [hbm4b:s5+s6], $0x20, s12, s6, $0xb8;
	[tilespmem:$0xDD00] =	vst v63  }
0x18: {  	s15 =	sshrl.u32 s15, $0x3;
	_ =	swait.ge [sflag:s13], $0x6800  }
0x19: {  	s19 =	sadd.s32 s14, s15;
	[sflag:s13] =	ssyncset.done $0x0  }
0x1a: {  	s14 =	simm.s32 $0x4;
	s15 =	sadd.s32 $0xD00, s19;
	[sflag:s13] =	ssyncadd.s32 $0xFFFF9800  }
0x1b: {  	[hbm4b:s15+s2] =	stream.linear.scatter [tilespmem:s8], [sflag:$0x4], $0x6800, $0x38;
	[tilespmem:$0xDD00] =	vst v63  }
0x1c: {  	_ =	swait.ge [sflag:s14], $0x6800  }
0x1d: {  	[sflag:s14] =	ssyncset.done $0x0  }
0x1e: {  	s16 =	simm.s32 $0x9C0;
	[sflag:s14] =	ssyncadd.s32 $0xFFFF9800  }
0x1f: {  	[tilespmem:s8], [sflag:$0x2] =	stream.indirect.gather [hbm4b:s5+s6], $0x20, s16, s6, $0xb8;
	[tilespmem:$0xDD00] =	vst v63  }
0x20: {  	_ =	swait.ge [sflag:s9], $0x6800  }
0x21: {  	s20 =	ssub.s32 $0x2, s18;
	[sflag:s9] =	ssyncset.done $0x0  }
0x22: {  	s31 =	sshrl.u32 s20, $0x1;
	s17 =	sadd.s32 $0x1A00, s19;
	[sflag:s9] =	ssyncadd.s32 $0xFFFF9800  }
0x23: {  	[hbm4b:s17+s2] =	stream.linear.scatter [tilespmem:s7], [sflag:$0x3], $0x6800, $0x38;
	[tilespmem:$0xDD00] =	vst v63  }
0x24: {  	s18 =	sadd.s32 $0x2700, s19;
	s19 =	ssub.s32 s20, s31;
	_ =	swait.ge [sflag:s13], $0x6800  }
0x25: {  	s19 =	smax.u32 s19, $0x1;
	[sflag:s13] =	ssyncset.done $0x0  }
0x26: {  	p0 =	sne.s32 s19, $0x1;
	[sflag:s13] =	ssyncadd.s32 $0xFFFF9800  }
0x27: {  	[hbm4b:s18+s2] =	stream.linear.scatter [tilespmem:s8], [sflag:$0x4], $0x6800, $0x38;
	[tilespmem:$0xDD00] =	vst v63  }
.Ltmp0:
0x28: {  	_ =	swait.ge [sflag:s11], $0x6800;
	(pc) =	sbr.rel @!p0 .LBB2_2-.Ltmp0, $4  }
0x29: {  	[sflag:s11] =	ssyncset.done $0x0  }
0x2a: {  	[sflag:s11] =	ssyncadd.s32 $0xFFFF9800  }
0x2b: {  	_ =	swait.ge [sflag:s14], $0x6800  }
0x2c: {  	s19 =	sadd.s32 $0xFFFFFFFF, s19;
	[sflag:s14] =	ssyncset.done $0x0  }
.LBB2_1:
0x2d: {  	p0 =	sne.s32 s19, $0x1;
	s19 =	sadd.s32 $0xFFFFFFFF, s19;
	[sflag:s14] =	ssyncadd.s32 $0xFFFF9800  }
0x2e: {  	[tilespmem:s2], [sflag:$0x5] =	stream.linear.gather [hbm4b:s3+s2], $0xD00, $0x38;
	[tilespmem:$0xDD00] =	vst v63  }
0x2f: {  	_ =	swait.ge [sflag:s4], $0xD00  }
0x30: {  	[sflag:s4] =	ssyncset.done $0x0  }
0x31: {  	[sflag:s4] =	ssyncadd.s32 $0xFFFFF300  }
0x32: {  	[tilespmem:s7], [sflag:$0x1] =	stream.indirect.gather [hbm4b:s5+s6], $0x20, s2, s6, $0xb8;
	[tilespmem:$0xDD00] =	vst v63  }
0x33: {  	_ = 	snop  }
0x34: {  	[tilespmem:s8], [sflag:$0x2] =	stream.indirect.gather [hbm4b:s5+s6], $0x20, s6, s6, $0xb8;
	[tilespmem:$0xDD00] =	vst v63  }
0x35: {  	_ =	swait.ge [sflag:s9], $0x6800  }
0x36: {  	[sflag:s9] =	ssyncset.done $0x0  }
0x37: {  	[sflag:s9] =	ssyncadd.s32 $0xFFFF9800  }
0x38: {  	[hbm4b:s10+s2] =	stream.linear.scatter [tilespmem:s7], [sflag:$0x3], $0x6800, $0x38;
	[tilespmem:$0xDD00] =	vst v63  }
0x39: {  	_ =	swait.ge [sflag:s11], $0x6800  }
0x3a: {  	[sflag:s11] =	ssyncset.done $0x0  }
0x3b: {  	[sflag:s11] =	ssyncadd.s32 $0xFFFF9800  }
0x3c: {  	[tilespmem:s7], [sflag:$0x1] =	stream.indirect.gather [hbm4b:s5+s6], $0x20, s12, s6, $0xb8;
	[tilespmem:$0xDD00] =	vst v63  }
0x3d: {  	_ =	swait.ge [sflag:s13], $0x6800  }
0x3e: {  	[sflag:s13] =	ssyncset.done $0x0  }
0x3f: {  	[sflag:s13] =	ssyncadd.s32 $0xFFFF9800  }
0x40: {  	[hbm4b:s15+s2] =	stream.linear.scatter [tilespmem:s8], [sflag:$0x4], $0x6800, $0x38;
	[tilespmem:$0xDD00] =	vst v63  }
0x41: {  	_ =	swait.ge [sflag:s14], $0x6800  }
0x42: {  	[sflag:s14] =	ssyncset.done $0x0  }
0x43: {  	[sflag:s14] =	ssyncadd.s32 $0xFFFF9800  }
0x44: {  	[tilespmem:s8], [sflag:$0x2] =	stream.indirect.gather [hbm4b:s5+s6], $0x20, s16, s6, $0xb8;
	[tilespmem:$0xDD00] =	vst v63  }
0x45: {  	_ =	swait.ge [sflag:s9], $0x6800  }
0x46: {  	[sflag:s9] =	ssyncset.done $0x0  }
0x47: {  	[sflag:s9] =	ssyncadd.s32 $0xFFFF9800  }
0x48: {  	[hbm4b:s17+s2] =	stream.linear.scatter [tilespmem:s7], [sflag:$0x3], $0x6800, $0x38;
	[tilespmem:$0xDD00] =	vst v63  }
0x49: {  	_ =	swait.ge [sflag:s13], $0x6800  }
0x4a: {  	[sflag:s13] =	ssyncset.done $0x0  }
0x4b: {  	[sflag:s13] =	ssyncadd.s32 $0xFFFF9800  }
0x4c: {  	[hbm4b:s18+s2] =	stream.linear.scatter [tilespmem:s8], [sflag:$0x4], $0x6800, $0x38;
	[tilespmem:$0xDD00] =	vst v63  }
.Ltmp1:
0x4d: {  	_ =	swait.ge [sflag:s11], $0x6800;
	(pc) =	sbr.rel @p0 .LBB2_1-.Ltmp1, $4  }
0x4e: {  	[sflag:s11] =	ssyncset.done $0x0  }
0x4f: {  	[sflag:s11] =	ssyncadd.s32 $0xFFFF9800  }
0x50: {  	_ =	swait.ge [sflag:s14], $0x6800  }
0x51: {  	[sflag:s14] =	ssyncset.done $0x0  }
.LBB2_2:
0x52: {  	[sflag:s14] =	ssyncadd.s32 $0xFFFF9800  }
0x53: {  	_ =	sfence.sel $0x180000  }
0x54: {  	[bflag:$0x0] =	sbarrier.arrive $0xFFFF  }
0x55: {  	p0 =	sne.s32 s0, $0x0;
	_ =	strace $0x90000050  }
0x56: {  	s0 =	sadd.s32 @!p0 $0x100000, s1;
	[bflag:$0x2] =	sbarrier.arrive $0xFFFF  }
0x57: {  	[sflag:s0] =	ssyncadd.tile.s32 @!p0 $0x1;
	_ =	shalt  }
.Lfunc_end2:
_tile_overlayer_lowered:
.L_overlay_start_2:
0x58: {  	(tag) =	ssettag $0x2  }
0x59: {  	s0 =	rddreg [dreg:$0x0];
	s2 =	stileid.u32  }
0x5a: {  	s1 =	rddreg [dreg:$0x1];
	p0 =	sne.s32 s2, $0x0  }
0x5b: {  	s3 =	rddreg [dreg:$0x2];
	[bflag:$0x3] =	sbarrier.arrive $0xFFFF;
	s2 =	simm.s32 @!p0 $0x1C05  }
0x5c: {  	[timem:s3], [sflag:s2] =	dma.local @!p0 [hbm:s0], s1  }
0x5d: {  	s0 =	simm.s32 @!p0 $0x5  }
0x5e: {  	_ =	swait.ge @!p0 [sflag:s0], s1  }
0x5f: {  	s1 =	ssub.s32 @!p0 $0x0, s1;
	[sflag:s0] =	ssyncset.done @!p0 $0x0  }
0x60: {  	[sflag:s0] =	ssyncadd.s32 @!p0 s1  }
0x61: {  	[bflag:$0x3] =	sbarrier.arrive $0xFFFF  }
0x62: {  	_ =	shalt  }

// kernel: _lookup.6.cloned.1.call-start
scs
__scs_entry_jumppad:
0x0: {  	(pc) =	sbr.rel $0x88, $3  }
0x1: {  	(tag) =	ssettag $0x0;
	lr =	simm.s32 $0x1  }
0x2: {  	[smem:$0x3F9F] =	sst lr;
	_ =	strace $0xD0000000  }
0x3: {  	_ = 	snop  }
0x4: {  	_ = 	snop  }
0x5: {  	_ = 	snop  }
0x6: {  	_ = 	snop  }
0x7: {  	_ = 	snop  }
__scs_overlays_trampoline_lowered:
0x8: {  	[smem:$0x3FAE] =	sst s0  }
0x9: {  	[smem:$0x3FAF] =	sst s1  }
0xa: {  	[smem:$0x3FB0] =	sst s2  }
0xb: {  	[smem:$0x3FB1] =	sst s3  }
0xc: {  	[smem:$0x3FB2] =	sst s4  }
0xd: {  	[smem:$0x3FB3] =	sst s5  }
0xe: {  	[smem:$0x3FB4] =	sst s6  }
0xf: {  	[smem:$0x3FB5] =	sst s7  }
0x10: {  	[smem:$0x3FB6] =	sst s8  }
0x11: {  	[smem:$0x3FB7] =	sst s9;
	s0 =	simm.s32 @!p0 $0x0  }
0x12: {  	s1 =	sld [smem:$0x3F9D];
	s0 =	simm.s32 @p0 $0x1  }
0x13: {  	[smem:$0x3FB8] =	sst s0;
	s0 =	simm.s32 @!p1 $0x0  }
0x14: {  	s2 =	sld [smem:$0x3F9C];
	s0 =	simm.s32 @p1 $0x1  }
0x15: {  	[smem:$0x3FB9] =	sst s0;
	s0 =	simm.s32 @!p2 $0x0  }
0x16: {  	s3 =	sld [smem:$0x3FDB];
	s0 =	simm.s32 @p2 $0x1  }
0x17: {  	s4 =	simm.s32 $0x1BF5;
	[smem:$0x3FBB] =	sst s0  }
0x18: {  	s0 =	sld [smem:$0x3F9E];
	_ =	swait.ge [sflag:s4], $0x0  }
0x19: {  	s7 =	sld [smem:$0x3F9F]  }
0x1a: {  	s8 =	sadd.s32 $0xFFFFE003, lr  }
0x1b: {  	s9 =	sadd.s32 $0xFFFFFEF7, lr;
	s5 =	simm.s32 $0xFFFFFFFF;
	p2 =	slt.u32 s8, $0xFFFFF086  }
0x1c: {  	p1 =	slt.u32 s9, $0xF7A;
	s5 =	simm.s32 @!p2 $0x0  }
0x1d: {  	s5 =	simm.s32 @p1 $0x1;
	p0 =	seq.s32 s7, s2  }
0x1e: {  	s7 =	smul.u32 @!p0 $0xF7A, s2;
	p2 =	seq.s32 @!p0 s5, $0x0  }
0x1f: {  	s9 =	smul.u32 $0xF7A, s1;
	s8 =	simm.s32 @!p0 $0x1BF5;
	p2 =	por !p2, p0  }
0x20: {  	[sflag:s8] =	ssyncset.s32 @!p0 $0xFFFFF086;
	s6 =	sadd.s32 @!p0 s3, s7;
	s7 =	simm.s32 @!p0 $0x108  }
0x21: {  	s3 =	sadd.s32 s3, s9;
	s6 =	sadd.s32 @!p0 $0x88, s6;
	s7 =	simm.s32 @p2 $0x1082  }
0x22: {  	[simem:s7], [sflag:s8] =	dma.local @!p0 [hbm:s6], $0xF7A  }
0x23: {  	s9 =	sor.u32 $0xD0000000, s2;
	s6 =	simm.s32 $0x108;
	_ =	swait.ge @!p0 [sflag:s8], $0x0  }
0x24: {  	s3 =	sadd.s32 $0x88, s3;
	s6 =	simm.s32 @!p1 $0x1082;
	[sflag:s4] =	ssyncset.s32 $0xFFFFF086  }
0x25: {  	[simem:s6], [sflag:s4] =	dma.local [hbm:s3], $0xF7A  }
0x26: {  	[smem:$0x3F9F] =	sst s1;
	(tag) =	ssettag s2;
	_ =	strace s9  }
0x27: {  	s1 =	sld [smem:$0x3FAF]  }
0x28: {  	s2 =	sld [smem:$0x3FB0]  }
0x29: {  	s4 =	sld [smem:$0x3FB2]  }
0x2a: {  	p0 =	seq.s32 s5, $0x0;
	s5 =	sld [smem:$0x3FB3]  }
0x2b: {  	s6 =	sld [smem:$0x3FB4]  }
0x2c: {  	s7 =	sld [smem:$0x3FB5]  }
0x2d: {  	s3 =	simm.s32 $0x108;
	s8 =	sld [smem:$0x3FB6]  }
0x2e: {  	s3 =	simm.s32 @!p0 $0x1082;
	s9 =	sld [smem:$0x3FB7]  }
0x2f: {  	lr =	sadd.s32 s0, s3;
	s0 =	sld [smem:$0x3FAE]  }
0x30: {  	s3 =	sld [smem:$0x3FB1]  }
0x31: {  	[smem:$0x3FBA] =	sst s10  }
0x32: {  	s10 =	sld [smem:$0x3FB8];
	_ =	sdelay $0x3  }
0x33: {  	p0 =	seq.s32 s10, $0x1;
	s10 =	sld [smem:$0x3FBA];
	_ =	sdelay $0x3  }
0x34: {  	[smem:$0x3FBA] =	sst s10  }
0x35: {  	s10 =	sld [smem:$0x3FB9];
	_ =	sdelay $0x3  }
0x36: {  	p1 =	seq.s32 s10, $0x1;
	s10 =	sld [smem:$0x3FBA];
	_ =	sdelay $0x3  }
0x37: {  	[smem:$0x3FBA] =	sst s10  }
0x38: {  	s10 =	sld [smem:$0x3FBB]  }
0x39: {  	_ = 	snop;
	(pc) =	sbr.ind lr, $3  }
0x3a: {  	_ = 	snop  }
0x3b: {  	_ = 	snop  }
0x3c: {  	p2 =	seq.s32 s10, $0x1;
	s10 =	sld [smem:$0x3FBA]  }
0x3d: {  	_ =	shalt  }
0x3e: {  	_ =	shalt  }
0x3f: {  	_ =	shalt  }
0x40: {  	_ =	shalt  }
0x41: {  	_ =	shalt  }
0x42: {  	_ =	shalt  }
0x43: {  	_ =	shalt  }
0x44: {  	_ =	shalt  }
0x45: {  	_ =	shalt  }
0x46: {  	_ =	shalt  }
0x47: {  	_ =	shalt  }
0x48: {  	_ =	shalt  }
0x49: {  	_ =	shalt  }
0x4a: {  	_ =	shalt  }
0x4b: {  	_ =	shalt  }
0x4c: {  	_ =	shalt  }
0x4d: {  	_ =	shalt  }
0x4e: {  	_ =	shalt  }
0x4f: {  	_ =	shalt  }
0x50: {  	_ =	shalt  }
0x51: {  	_ =	shalt  }
0x52: {  	_ =	shalt  }
0x53: {  	_ =	shalt  }
0x54: {  	_ =	shalt  }
0x55: {  	_ =	shalt  }
0x56: {  	_ =	shalt  }
0x57: {  	_ =	shalt  }
0x58: {  	_ =	shalt  }
0x59: {  	_ =	shalt  }
0x5a: {  	_ =	shalt  }
0x5b: {  	_ =	shalt  }
0x5c: {  	_ =	shalt  }
0x5d: {  	_ =	shalt  }
0x5e: {  	_ =	shalt  }
0x5f: {  	_ =	shalt  }
0x60: {  	_ =	shalt  }
0x61: {  	_ =	shalt  }
0x62: {  	_ =	shalt  }
0x63: {  	_ =	shalt  }
0x64: {  	_ =	shalt  }
0x65: {  	_ =	shalt  }
0x66: {  	_ =	shalt  }
0x67: {  	_ =	shalt  }
0x68: {  	_ =	shalt  }
0x69: {  	_ =	shalt  }
0x6a: {  	_ =	shalt  }
0x6b: {  	_ =	shalt  }
0x6c: {  	_ =	shalt  }
0x6d: {  	_ =	shalt  }
0x6e: {  	_ =	shalt  }
0x6f: {  	_ =	shalt  }
0x70: {  	_ =	shalt  }
0x71: {  	_ =	shalt  }
0x72: {  	_ =	shalt  }
0x73: {  	_ =	shalt  }
0x74: {  	_ =	shalt  }
0x75: {  	_ =	shalt  }
0x76: {  	_ =	shalt  }
0x77: {  	_ =	shalt  }
0x78: {  	_ =	shalt  }
0x79: {  	_ =	shalt  }
0x7a: {  	_ =	shalt  }
0x7b: {  	_ =	shalt  }
0x7c: {  	_ =	shalt  }
0x7d: {  	_ =	shalt  }
0x7e: {  	_ =	shalt  }
0x7f: {  	_ =	shalt  }
0x80: {  	_ =	shalt  }
0x81: {  	_ =	shalt  }
0x82: {  	_ =	shalt  }
0x83: {  	_ =	shalt  }
0x84: {  	_ =	shalt  }
0x85: {  	_ =	shalt  }
0x86: {  	_ =	shalt  }
0x87: {  	_ =	shalt  }
.Lfunc_end0:
.L_simem_size_0:
called_computation_lowered:
.L_overlay_start_0:
0x88: {  	s2 =	sld [smem:$0x3FD9]  }
0x89: {  	s3 =	sld [smem:$0x3FFE];
	_ =	sdelay $0x1  }
0x8a: {  	s1 =	srdreg.scid  }
0x8b: {  	s0 =	sand.u32 $0x1, s1  }
0x8c: {  	s17 =	sshll.u32 s0, $0xA;
	s2 =	sadd.s32 s3, s2  }
0x8d: {  	s2 =	sadd.s32 s2, s17  }
0x8e: {  	[smem:$0x3FC6] =	sst s2  }
0x8f: {  	_ = 	snop  }
0x90: {  	s2 =	sld [smem:$0x3FC9];
	(tm) =	ssettm $0x1  }
0x91: {  	s18 =	sld [smem:$0x3FFB];
	_ =	sdelay $0x3  }
0x92: {  	_ =	strace s18  }
0x93: {  	s3 =	sld [smem:$0x3FFC];
	_ =	sdelay $0x3  }
0x94: {  	_ =	strace s3  }
0x95: {  	s3 =	sld [smem:$0x3FFD];
	_ =	sdelay $0x3  }
0x96: {  	_ =	strace s3  }
0x97: {  	_ =	strace $0x8FFFFFFF  }
0x98: {  	s19 =	sld [smem:$0x3FDB];
	_ =	sdelay $0x1  }
0x99: {  	s4 =	simm.s32 $_scs_section_size  }
0x9a: {  	s5 =	simm.s32 $_size__tile_overlayer_lowered;
	s6 =	simm.s32 $_tile_overlayer_lowered  }
0x9b: {  	s22 =	simm.s32 $0x1BFF;
	s21 =	sshll.u32 s6, $0x1;
	s3 =	sadd.s32 s4, s19  }
0x9c: {  	s7 =	simm.s32 $0x0;
	s20 =	sshll.u32 s5, $0x1;
	s5 =	sadd.s32 s21, s3  }
0x9d: {  	[timem:s7], [sflag:s22] =	dma.local [hbm:s5], s20  }
0x9e: {  	_ =	swait.ge [sflag:s22], s20  }
0x9f: {  	s4 =	ssub.s32 $0x0, s20;
	[sflag:s22] =	ssyncset.done $0x0  }
0xa0: {  	[sflag:s22] =	ssyncadd.s32 s4;
	_ =	sdelay $0x1  }
0xa1: {  	s23 =	simm.s32 $0x1B8B  }
0xa2: {  	_ =	swait.ge [sflag:s23], $0x1  }
0xa3: {  	[sflag:s23] =	ssyncset.done $0x0  }
0xa4: {  	s25 =	simm.s32 $0x1B8E;
	s24 =	sld [smem:$0x3FFE];
	[sflag:s23] =	ssyncadd.s32 $0xFFFFFFFF  }
0xa5: {  	s26 =	simm.s32 $execute0_lowered;
	[smem:$0x3FD2] =	sst s25  }
0xa6: {  	s5 =	sshll.u32 s26, $0x1;
	_ =	strace $0x80000046;
	[dreg:$0x1] =	wrdreg $0xFFFFFFFF  }
0xa7: {  	s28 =	simm.s32 $_size_execute0_lowered;
	s3 =	sadd.s32 s3, s5;
	[dreg:$0x0] =	wrdreg $0x0  }
0xa8: {  	s5 =	sshll.u32 s28, $0x1;
	[dreg:$0x2] =	wrdreg s3  }
0xa9: {  	[dreg:$0x3] =	wrdreg s5  }
0xaa: {  	[dreg:$0x4] =	wrdreg $0xC0  }
0xab: {  	_ =	task [dreg:s7], $0x5FFFF  }
0xac: {  	[dreg:$0x1] =	wrdreg $0xFFFFFFFF  }
0xad: {  	[dreg:$0x0] =	wrdreg $0x60  }
0xae: {  	[dreg:$0x2] =	wrdreg s2  }
0xaf: {  	[dreg:$0x3] =	wrdreg s24  }
0xb0: {  	[dreg:$0x4] =	wrdreg $0x9  }
0xb1: {  	_ =	task.clear_ibuf [dreg:s7], $0x5FFFF;
	_ =	strace $0x90000046  }
0xb2: {  	s29 =	simm.s32 $0x9;
	_ =	strace $0x80000048  }
0xb3: {  	_ =	swait.ge [sflag:s29], $0x1  }
0xb4: {  	[sflag:s29] =	ssyncadd.s32 $0xFFFFFFFF  }
0xb5: {  	_ =	strace $0x90000048  }
0xb6: {  	_ =	sfence  }
0xb7: {  	s30 =	sld [smem:$0x0];
	_ =	sdelay $0x2  }
0xb8: {  	s31 =	sshll.u32 s1, $0xD;
	s1 =	sshrl.u32 s1, $0x2  }
0xb9: {  	s3 =	sand.u32 $0x4000, s31;
	s1 =	sadd.s32 s1, s30  }
0xba: {  	s0 =	sor.u32 s3, s0;
	s1 =	sshll.u32 s1, $0x11  }
0xbb: {  	s0 =	sor.u32 s1, s0  }
0xbc: {  	s0 =	sadd.s32 $0x8F2B, s0  }
0xbd: {  	[sflag:s0] =	ssyncadd.remote.s32 $0x1  }
0xbe: {  	_ =	sfence.sel $0xFFFF  }
0xbf: {  	[dreg:$0x0] =	wrdreg $0xFFFFFFFF;
	(pc) =	sbr.abs _section_cstart, $3  }
0xc0: {  	[dreg:$0x1] =	wrdreg $0xFFFFFFFF  }
0xc1: {  	_ =	task.clear_ibuf [dreg:s7], $0x2FFFF;
	_ =	strace $0x9FFFFFFF  }
0xc2: {  	(tm) =	ssettm $0x7FFFFFFF  }
0xc3: {  	_ =	shalt  }
tec
execute0_lowered:
.L_overlay_start_1:
0x0: {  	(tag) =	ssettag $0x1  }
0x1: {  	s1 =	srdreg.scid;
	s0 =	stileid.u32  }
0x2: {  	s3 =	rddreg [dreg:$0x0];
	s18 =	sand.u32 $0x1, s1;
	s30 =	sshll.u32 s0, $0x1  }
0x3: {  	s10 =	rddreg [dreg:$0x1];
	s12 =	sor.u32 s18, s30  }
0x4: {  	s2 =	simm.s32 $0x0;
	s1 =	rddreg [dreg:$0x2];
	s4 =	smul.u32 $0x1A0, s12  }
0x5: {  	[smem:$0x7FF] =	sst s2  }
0x6: {  	_ =	strace $0x80000047;
	s3 =	sadd.s32 s3, s4;
	s4 =	simm.s32 $0x5  }
0x7: {  	[tilespmem:s2], [sflag:$0x5] =	stream.linear.gather [hbm4b:s3+s2], $0xD00, $0x38;
	[tilespmem:$0xDD00] =	vst v63  }
0x8: {  	_ =	swait.ge [sflag:s4], $0xD00  }
0x9: {  	s6 =	simm.s32 $0x340;
	[sflag:s4] =	ssyncset.done $0x0  }
0xa: {  	s7 =	simm.s32 $0xD00;
	s5 =	sadd.s32 $0x1000, s10;
	[sflag:s4] =	ssyncadd.s32 $0xFFFFF300  }
0xb: {  	[tilespmem:s7], [sflag:$0x1] =	stream.indirect.gather [hbm4b:s5+s6], $0x20, s2, s6, $0xb8;
	[tilespmem:$0xDD00] =	vst v63  }
0xc: {  	s8 =	simm.s32 $0x7500;
	s9 =	simm.s32 $0x1  }
0xd: {  	[tilespmem:s8], [sflag:$0x2] =	stream.indirect.gather [hbm4b:s5+s6], $0x20, s6, s6, $0xb8;
	[tilespmem:$0xDD00] =	vst v63  }
0xe: {  	s11 =	smul.u32 $0x3400, s12;
	_ =	swait.ge [sflag:s9], $0x6800  }
0xf: {  	s14 =	sadd.s32 $0x62C00, s10;
	[sflag:s9] =	ssyncset.done $0x0  }
0x10: {  	s10 =	sadd.s32 s14, s11;
	s11 =	simm.s32 $0x3;
	[sflag:s9] =	ssyncadd.s32 $0xFFFF9800  }
0x11: {  	[hbm4b:s10+s2] =	stream.linear.scatter [tilespmem:s7], [sflag:$0x3], $0x6800, $0x38;
	[tilespmem:$0xDD00] =	vst v63  }
0x12: {  	_ =	swait.ge [sflag:s11], $0x6800  }
0x13: {  	s13 =	simm.s32 $0x2;
	[sflag:s11] =	ssyncset.done $0x0  }
0x14: {  	s15 =	smul.u32 $0x1A000, s12;
	s12 =	simm.s32 $0x680;
	[sflag:s11] =	ssyncadd.s32 $0xFFFF9800  }
0x15: {  	[tilespmem:s7], [sflag:$0x1] =	stream.indirect.gather [hbm4b:s5+s6], $0x20, s12, s6, $0xb8;
	[tilespmem:$0xDD00] =	vst v63  }
0x16: {  	s15 =	sshrl.u32 s15, $0x3;
	_ =	swait.ge [sflag:s13], $0x6800  }
0x17: {  	s19 =	sadd.s32 s14, s15;
	[sflag:s13] =	ssyncset.done $0x0  }
0x18: {  	s14 =	simm.s32 $0x4;
	s15 =	sadd.s32 $0xD00, s19;
	[sflag:s13] =	ssyncadd.s32 $0xFFFF9800  }
0x19: {  	[hbm4b:s15+s2] =	stream.linear.scatter [tilespmem:s8], [sflag:$0x4], $0x6800, $0x38;
	[tilespmem:$0xDD00] =	vst v63  }
0x1a: {  	_ =	swait.ge [sflag:s14], $0x6800  }
0x1b: {  	[sflag:s14] =	ssyncset.done $0x0  }
0x1c: {  	s16 =	simm.s32 $0x9C0;
	[sflag:s14] =	ssyncadd.s32 $0xFFFF9800  }
0x1d: {  	[tilespmem:s8], [sflag:$0x2] =	stream.indirect.gather [hbm4b:s5+s6], $0x20, s16, s6, $0xb8;
	[tilespmem:$0xDD00] =	vst v63  }
0x1e: {  	_ =	swait.ge [sflag:s9], $0x6800  }
0x1f: {  	s20 =	ssub.s32 $0x2, s18;
	[sflag:s9] =	ssyncset.done $0x0  }
0x20: {  	s31 =	sshrl.u32 s20, $0x1;
	s17 =	sadd.s32 $0x1A00, s19;
	[sflag:s9] =	ssyncadd.s32 $0xFFFF9800  }
0x21: {  	[hbm4b:s17+s2] =	stream.linear.scatter [tilespmem:s7], [sflag:$0x3], $0x6800, $0x38;
	[tilespmem:$0xDD00] =	vst v63  }
0x22: {  	s18 =	sadd.s32 $0x2700, s19;
	s19 =	ssub.s32 s20, s31;
	_ =	swait.ge [sflag:s13], $0x6800  }
0x23: {  	s19 =	smax.u32 s19, $0x1;
	[sflag:s13] =	ssyncset.done $0x0  }
0x24: {  	p0 =	sne.s32 s19, $0x1;
	[sflag:s13] =	ssyncadd.s32 $0xFFFF9800  }
0x25: {  	[hbm4b:s18+s2] =	stream.linear.scatter [tilespmem:s8], [sflag:$0x4], $0x6800, $0x38;
	[tilespmem:$0xDD00] =	vst v63  }
.Ltmp0:
0x26: {  	_ =	swait.ge [sflag:s11], $0x6800;
	(pc) =	sbr.rel @!p0 .LBB2_2-.Ltmp0, $4  }
0x27: {  	[sflag:s11] =	ssyncset.done $0x0  }
0x28: {  	[sflag:s11] =	ssyncadd.s32 $0xFFFF9800  }
0x29: {  	_ =	swait.ge [sflag:s14], $0x6800  }
0x2a: {  	s19 =	sadd.s32 $0xFFFFFFFF, s19;
	[sflag:s14] =	ssyncset.done $0x0  }
.LBB2_1:
0x2b: {  	p0 =	sne.s32 s19, $0x1;
	s19 =	sadd.s32 $0xFFFFFFFF, s19;
	[sflag:s14] =	ssyncadd.s32 $0xFFFF9800  }
0x2c: {  	[tilespmem:s2], [sflag:$0x5] =	stream.linear.gather [hbm4b:s3+s2], $0xD00, $0x38;
	[tilespmem:$0xDD00] =	vst v63  }
0x2d: {  	_ =	swait.ge [sflag:s4], $0xD00  }
0x2e: {  	[sflag:s4] =	ssyncset.done $0x0  }
0x2f: {  	[sflag:s4] =	ssyncadd.s32 $0xFFFFF300  }
0x30: {  	[tilespmem:s7], [sflag:$0x1] =	stream.indirect.gather [hbm4b:s5+s6], $0x20, s2, s6, $0xb8;
	[tilespmem:$0xDD00] =	vst v63  }
0x31: {  	_ = 	snop  }
0x32: {  	[tilespmem:s8], [sflag:$0x2] =	stream.indirect.gather [hbm4b:s5+s6], $0x20, s6, s6, $0xb8;
	[tilespmem:$0xDD00] =	vst v63  }
0x33: {  	_ =	swait.ge [sflag:s9], $0x6800  }
0x34: {  	[sflag:s9] =	ssyncset.done $0x0  }
0x35: {  	[sflag:s9] =	ssyncadd.s32 $0xFFFF9800  }
0x36: {  	[hbm4b:s10+s2] =	stream.linear.scatter [tilespmem:s7], [sflag:$0x3], $0x6800, $0x38;
	[tilespmem:$0xDD00] =	vst v63  }
0x37: {  	_ =	swait.ge [sflag:s11], $0x6800  }
0x38: {  	[sflag:s11] =	ssyncset.done $0x0  }
0x39: {  	[sflag:s11] =	ssyncadd.s32 $0xFFFF9800  }
0x3a: {  	[tilespmem:s7], [sflag:$0x1] =	stream.indirect.gather [hbm4b:s5+s6], $0x20, s12, s6, $0xb8;
	[tilespmem:$0xDD00] =	vst v63  }
0x3b: {  	_ =	swait.ge [sflag:s13], $0x6800  }
0x3c: {  	[sflag:s13] =	ssyncset.done $0x0  }
0x3d: {  	[sflag:s13] =	ssyncadd.s32 $0xFFFF9800  }
0x3e: {  	[hbm4b:s15+s2] =	stream.linear.scatter [tilespmem:s8], [sflag:$0x4], $0x6800, $0x38;
	[tilespmem:$0xDD00] =	vst v63  }
0x3f: {  	_ =	swait.ge [sflag:s14], $0x6800  }
0x40: {  	[sflag:s14] =	ssyncset.done $0x0  }
0x41: {  	[sflag:s14] =	ssyncadd.s32 $0xFFFF9800  }
0x42: {  	[tilespmem:s8], [sflag:$0x2] =	stream.indirect.gather [hbm4b:s5+s6], $0x20, s16, s6, $0xb8;
	[tilespmem:$0xDD00] =	vst v63  }
0x43: {  	_ =	swait.ge [sflag:s9], $0x6800  }
0x44: {  	[sflag:s9] =	ssyncset.done $0x0  }
0x45: {  	[sflag:s9] =	ssyncadd.s32 $0xFFFF9800  }
0x46: {  	[hbm4b:s17+s2] =	stream.linear.scatter [tilespmem:s7], [sflag:$0x3], $0x6800, $0x38;
	[tilespmem:$0xDD00] =	vst v63  }
0x47: {  	_ =	swait.ge [sflag:s13], $0x6800  }
0x48: {  	[sflag:s13] =	ssyncset.done $0x0  }
0x49: {  	[sflag:s13] =	ssyncadd.s32 $0xFFFF9800  }
0x4a: {  	[hbm4b:s18+s2] =	stream.linear.scatter [tilespmem:s8], [sflag:$0x4], $0x6800, $0x38;
	[tilespmem:$0xDD00] =	vst v63  }
.Ltmp1:
0x4b: {  	_ =	swait.ge [sflag:s11], $0x6800;
	(pc) =	sbr.rel @p0 .LBB2_1-.Ltmp1, $4  }
0x4c: {  	[sflag:s11] =	ssyncset.done $0x0  }
0x4d: {  	[sflag:s11] =	ssyncadd.s32 $0xFFFF9800  }
0x4e: {  	_ =	swait.ge [sflag:s14], $0x6800  }
0x4f: {  	[sflag:s14] =	ssyncset.done $0x0  }
.LBB2_2:
0x50: {  	[sflag:s14] =	ssyncadd.s32 $0xFFFF9800  }
0x51: {  	_ =	sfence.sel $0x180000  }
0x52: {  	[bflag:$0x0] =	sbarrier.arrive $0xFFFF  }
0x53: {  	p0 =	sne.s32 s0, $0x0;
	_ =	strace $0x90000047  }
0x54: {  	s0 =	sadd.s32 @!p0 $0x100000, s1;
	[bflag:$0x2] =	sbarrier.arrive $0xFFFF  }
0x55: {  	[sflag:s0] =	ssyncadd.tile.s32 @!p0 $0x1;
	_ =	shalt  }
.Lfunc_end2:
_tile_overlayer_lowered:
.L_overlay_start_2:
0x56: {  	(tag) =	ssettag $0x2  }
0x57: {  	s0 =	rddreg [dreg:$0x0];
	s2 =	stileid.u32  }
0x58: {  	s1 =	rddreg [dreg:$0x1];
	p0 =	sne.s32 s2, $0x0  }
0x59: {  	s3 =	rddreg [dreg:$0x2];
	[bflag:$0x3] =	sbarrier.arrive $0xFFFF;
	s2 =	simm.s32 @!p0 $0x1C05  }
0x5a: {  	[timem:s3], [sflag:s2] =	dma.local @!p0 [hbm:s0], s1  }
0x5b: {  	s0 =	simm.s32 @!p0 $0x5  }
0x5c: {  	_ =	swait.ge @!p0 [sflag:s0], s1  }
0x5d: {  	s1 =	ssub.s32 @!p0 $0x0, s1;
	[sflag:s0] =	ssyncset.done @!p0 $0x0  }
0x5e: {  	[sflag:s0] =	ssyncadd.s32 @!p0 s1  }
0x5f: {  	[bflag:$0x3] =	sbarrier.arrive $0xFFFF  }
0x60: {  	_ =	shalt  }

// kernel: _lookup.9.cloned.1.call-start
scs
__scs_entry_jumppad:
0x0: {  	(pc) =	sbr.rel $0x88, $3  }
0x1: {  	(tag) =	ssettag $0x0;
	lr =	simm.s32 $0x1  }
0x2: {  	[smem:$0x3F9F] =	sst lr;
	_ =	strace $0xD0000000  }
0x3: {  	_ = 	snop  }
0x4: {  	_ = 	snop  }
0x5: {  	_ = 	snop  }
0x6: {  	_ = 	snop  }
0x7: {  	_ = 	snop  }
__scs_overlays_trampoline_lowered:
0x8: {  	[smem:$0x3FAE] =	sst s0  }
0x9: {  	[smem:$0x3FAF] =	sst s1  }
0xa: {  	[smem:$0x3FB0] =	sst s2  }
0xb: {  	[smem:$0x3FB1] =	sst s3  }
0xc: {  	[smem:$0x3FB2] =	sst s4  }
0xd: {  	[smem:$0x3FB3] =	sst s5  }
0xe: {  	[smem:$0x3FB4] =	sst s6  }
0xf: {  	[smem:$0x3FB5] =	sst s7  }
0x10: {  	[smem:$0x3FB6] =	sst s8  }
0x11: {  	[smem:$0x3FB7] =	sst s9;
	s0 =	simm.s32 @!p0 $0x0  }
0x12: {  	s1 =	sld [smem:$0x3F9D];
	s0 =	simm.s32 @p0 $0x1  }
0x13: {  	[smem:$0x3FB8] =	sst s0;
	s0 =	simm.s32 @!p1 $0x0  }
0x14: {  	s2 =	sld [smem:$0x3F9C];
	s0 =	simm.s32 @p1 $0x1  }
0x15: {  	[smem:$0x3FB9] =	sst s0;
	s0 =	simm.s32 @!p2 $0x0  }
0x16: {  	s3 =	sld [smem:$0x3FDB];
	s0 =	simm.s32 @p2 $0x1  }
0x17: {  	s4 =	simm.s32 $0x1BF5;
	[smem:$0x3FBB] =	sst s0  }
0x18: {  	s0 =	sld [smem:$0x3F9E];
	_ =	swait.ge [sflag:s4], $0x0  }
0x19: {  	s7 =	sld [smem:$0x3F9F]  }
0x1a: {  	s8 =	sadd.s32 $0xFFFFE003, lr  }
0x1b: {  	s9 =	sadd.s32 $0xFFFFFEF7, lr;
	s5 =	simm.s32 $0xFFFFFFFF;
	p2 =	slt.u32 s8, $0xFFFFF086  }
0x1c: {  	p1 =	slt.u32 s9, $0xF7A;
	s5 =	simm.s32 @!p2 $0x0  }
0x1d: {  	s5 =	simm.s32 @p1 $0x1;
	p0 =	seq.s32 s7, s2  }
0x1e: {  	s7 =	smul.u32 @!p0 $0xF7A, s2;
	p2 =	seq.s32 @!p0 s5, $0x0  }
0x1f: {  	s9 =	smul.u32 $0xF7A, s1;
	s8 =	simm.s32 @!p0 $0x1BF5;
	p2 =	por !p2, p0  }
0x20: {  	[sflag:s8] =	ssyncset.s32 @!p0 $0xFFFFF086;
	s6 =	sadd.s32 @!p0 s3, s7;
	s7 =	simm.s32 @!p0 $0x108  }
0x21: {  	s3 =	sadd.s32 s3, s9;
	s6 =	sadd.s32 @!p0 $0x88, s6;
	s7 =	simm.s32 @p2 $0x1082  }
0x22: {  	[simem:s7], [sflag:s8] =	dma.local @!p0 [hbm:s6], $0xF7A  }
0x23: {  	s9 =	sor.u32 $0xD0000000, s2;
	s6 =	simm.s32 $0x108;
	_ =	swait.ge @!p0 [sflag:s8], $0x0  }
0x24: {  	s3 =	sadd.s32 $0x88, s3;
	s6 =	simm.s32 @!p1 $0x1082;
	[sflag:s4] =	ssyncset.s32 $0xFFFFF086  }
0x25: {  	[simem:s6], [sflag:s4] =	dma.local [hbm:s3], $0xF7A  }
0x26: {  	[smem:$0x3F9F] =	sst s1;
	(tag) =	ssettag s2;
	_ =	strace s9  }
0x27: {  	s1 =	sld [smem:$0x3FAF]  }
0x28: {  	s2 =	sld [smem:$0x3FB0]  }
0x29: {  	s4 =	sld [smem:$0x3FB2]  }
0x2a: {  	p0 =	seq.s32 s5, $0x0;
	s5 =	sld [smem:$0x3FB3]  }
0x2b: {  	s6 =	sld [smem:$0x3FB4]  }
0x2c: {  	s7 =	sld [smem:$0x3FB5]  }
0x2d: {  	s3 =	simm.s32 $0x108;
	s8 =	sld [smem:$0x3FB6]  }
0x2e: {  	s3 =	simm.s32 @!p0 $0x1082;
	s9 =	sld [smem:$0x3FB7]  }
0x2f: {  	lr =	sadd.s32 s0, s3;
	s0 =	sld [smem:$0x3FAE]  }
0x30: {  	s3 =	sld [smem:$0x3FB1]  }
0x31: {  	[smem:$0x3FBA] =	sst s10  }
0x32: {  	s10 =	sld [smem:$0x3FB8];
	_ =	sdelay $0x3  }
0x33: {  	p0 =	seq.s32 s10, $0x1;
	s10 =	sld [smem:$0x3FBA];
	_ =	sdelay $0x3  }
0x34: {  	[smem:$0x3FBA] =	sst s10  }
0x35: {  	s10 =	sld [smem:$0x3FB9];
	_ =	sdelay $0x3  }
0x36: {  	p1 =	seq.s32 s10, $0x1;
	s10 =	sld [smem:$0x3FBA];
	_ =	sdelay $0x3  }
0x37: {  	[smem:$0x3FBA] =	sst s10  }
0x38: {  	s10 =	sld [smem:$0x3FBB]  }
0x39: {  	_ = 	snop;
	(pc) =	sbr.ind lr, $3  }
0x3a: {  	_ = 	snop  }
0x3b: {  	_ = 	snop  }
0x3c: {  	p2 =	seq.s32 s10, $0x1;
	s10 =	sld [smem:$0x3FBA]  }
0x3d: {  	_ =	shalt  }
0x3e: {  	_ =	shalt  }
0x3f: {  	_ =	shalt  }
0x40: {  	_ =	shalt  }
0x41: {  	_ =	shalt  }
0x42: {  	_ =	shalt  }
0x43: {  	_ =	shalt  }
0x44: {  	_ =	shalt  }
0x45: {  	_ =	shalt  }
0x46: {  	_ =	shalt  }
0x47: {  	_ =	shalt  }
0x48: {  	_ =	shalt  }
0x49: {  	_ =	shalt  }
0x4a: {  	_ =	shalt  }
0x4b: {  	_ =	shalt  }
0x4c: {  	_ =	shalt  }
0x4d: {  	_ =	shalt  }
0x4e: {  	_ =	shalt  }
0x4f: {  	_ =	shalt  }
0x50: {  	_ =	shalt  }
0x51: {  	_ =	shalt  }
0x52: {  	_ =	shalt  }
0x53: {  	_ =	shalt  }
0x54: {  	_ =	shalt  }
0x55: {  	_ =	shalt  }
0x56: {  	_ =	shalt  }
0x57: {  	_ =	shalt  }
0x58: {  	_ =	shalt  }
0x59: {  	_ =	shalt  }
0x5a: {  	_ =	shalt  }
0x5b: {  	_ =	shalt  }
0x5c: {  	_ =	shalt  }
0x5d: {  	_ =	shalt  }
0x5e: {  	_ =	shalt  }
0x5f: {  	_ =	shalt  }
0x60: {  	_ =	shalt  }
0x61: {  	_ =	shalt  }
0x62: {  	_ =	shalt  }
0x63: {  	_ =	shalt  }
0x64: {  	_ =	shalt  }
0x65: {  	_ =	shalt  }
0x66: {  	_ =	shalt  }
0x67: {  	_ =	shalt  }
0x68: {  	_ =	shalt  }
0x69: {  	_ =	shalt  }
0x6a: {  	_ =	shalt  }
0x6b: {  	_ =	shalt  }
0x6c: {  	_ =	shalt  }
0x6d: {  	_ =	shalt  }
0x6e: {  	_ =	shalt  }
0x6f: {  	_ =	shalt  }
0x70: {  	_ =	shalt  }
0x71: {  	_ =	shalt  }
0x72: {  	_ =	shalt  }
0x73: {  	_ =	shalt  }
0x74: {  	_ =	shalt  }
0x75: {  	_ =	shalt  }
0x76: {  	_ =	shalt  }
0x77: {  	_ =	shalt  }
0x78: {  	_ =	shalt  }
0x79: {  	_ =	shalt  }
0x7a: {  	_ =	shalt  }
0x7b: {  	_ =	shalt  }
0x7c: {  	_ =	shalt  }
0x7d: {  	_ =	shalt  }
0x7e: {  	_ =	shalt  }
0x7f: {  	_ =	shalt  }
0x80: {  	_ =	shalt  }
0x81: {  	_ =	shalt  }
0x82: {  	_ =	shalt  }
0x83: {  	_ =	shalt  }
0x84: {  	_ =	shalt  }
0x85: {  	_ =	shalt  }
0x86: {  	_ =	shalt  }
0x87: {  	_ =	shalt  }
.Lfunc_end0:
.L_simem_size_0:
called_computation.1_lowered:
.L_overlay_start_0:
0x88: {  	s2 =	sld [smem:$0x3FD9]  }
0x89: {  	s3 =	sld [smem:$0x3FFE];
	_ =	sdelay $0x1  }
0x8a: {  	s1 =	srdreg.scid  }
0x8b: {  	s0 =	sand.u32 $0x1, s1  }
0x8c: {  	s17 =	sshll.u32 s0, $0xA;
	s2 =	sadd.s32 s3, s2  }
0x8d: {  	s2 =	sadd.s32 s2, s17  }
0x8e: {  	[smem:$0x3FC6] =	sst s2  }
0x8f: {  	_ = 	snop  }
0x90: {  	s18 =	sld [smem:$0x3FC9];
	(tm) =	ssettm $0x1  }
0x91: {  	s19 =	sld [smem:$0x3FFB];
	_ =	sdelay $0x3  }
0x92: {  	_ =	strace s19  }
0x93: {  	s2 =	sld [smem:$0x3FFC];
	_ =	sdelay $0x3  }
0x94: {  	_ =	strace s2  }
0x95: {  	s2 =	sld [smem:$0x3FFD];
	_ =	sdelay $0x3  }
0x96: {  	_ =	strace s2  }
0x97: {  	_ =	strace $0x8FFFFFFF  }
0x98: {  	s20 =	sld [smem:$0x3FDB];
	_ =	sdelay $0x1  }
0x99: {  	s4 =	simm.s32 $_scs_section_size  }
0x9a: {  	s5 =	simm.s32 $_size__tile_overlayer_lowered;
	s6 =	simm.s32 $_tile_overlayer_lowered  }
0x9b: {  	s7 =	simm.s32 $0x1BFF;
	s21 =	sshll.u32 s6, $0x1;
	s4 =	sadd.s32 s4, s20  }
0x9c: {  	s22 =	simm.s32 $0x0;
	s5 =	sshll.u32 s5, $0x1;
	s6 =	sadd.s32 s21, s4  }
0x9d: {  	[timem:s22], [sflag:s7] =	dma.local [hbm:s6], s5  }
0x9e: {  	_ =	swait.ge [sflag:s7], s5  }
0x9f: {  	s5 =	ssub.s32 $0x0, s5;
	[sflag:s7] =	ssyncset.done $0x0  }
0xa0: {  	[sflag:s7] =	ssyncadd.s32 s5;
	_ =	sdelay $0x1  }
0xa1: {  	s23 =	simm.s32 $0x1B8B  }
0xa2: {  	_ =	swait.ge [sflag:s23], $0x1  }
0xa3: {  	[sflag:s23] =	ssyncset.done $0x0  }
0xa4: {  	[sflag:s23] =	ssyncadd.s32 $0xFFFFFFFF  }
0xa5: {  	s5 =	sld [smem:$0x0]  }
0xa6: {  	s6 =	sand.u32 $0xFFFFFFFE, s1  }
0xa7: {  	p0 =	sne.s32 s1, s6  }
0xa8: {  	s6 =	sshll.u32 @p0 s6, $0xE  }
0xa9: {  	s6 =	sadd.s32 @p0 $0x11B8D, s6;
	s7 =	sshll.u32 @p0 s5, $0x11  }
0xaa: {  	s6 =	sor.u32 @p0 s7, s6  }
0xab: {  	[sflag:s6] =	ssyncadd.remote.s32 @p0 $0x1;
	_ =	sdelay $0x1  }
0xac: {  	s6 =	simm.s32 @p0 $0x1B8D  }
0xad: {  	_ =	swait.eq @p0 [sflag:s6], $0x1  }
0xae: {  	[sflag:s6] =	ssyncadd.s32 @p0 $0xFFFFFFFF  }
0xaf: {  	s7 =	sshll.u32 @!p0 s1, $0xE  }
0xb0: {  	s7 =	sor.u32 @!p0 $0x4000, s7;
	s6 =	simm.s32 @!p0 $0x1B8D  }
0xb1: {  	s5 =	sshll.u32 @!p0 s5, $0x11;
	s7 =	sadd.s32 @!p0 $0x11B8D, s7;
	_ =	swait.eq @!p0 [sflag:s6], $0x1  }
0xb2: {  	s5 =	sor.u32 @!p0 s5, s7;
	[sflag:s6] =	ssyncadd.s32 @!p0 $0xFFFFFFFF  }
0xb3: {  	s25 =	simm.s32 $0x1B8E;
	s24 =	sld [smem:$0x3FFE];
	[sflag:s5] =	ssyncadd.remote.s32 @!p0 $0x1  }
0xb4: {  	s26 =	simm.s32 $execute0_lowered;
	[smem:$0x3FD2] =	sst s25  }
0xb5: {  	s6 =	sshll.u32 s26, $0x1;
	_ =	strace $0x80000049;
	[dreg:$0x1] =	wrdreg $0xFFFFFFFF  }
0xb6: {  	s28 =	simm.s32 $_size_execute0_lowered;
	s4 =	sadd.s32 s4, s6;
	[dreg:$0x0] =	wrdreg $0x0  }
0xb7: {  	s6 =	sshll.u32 s28, $0x1;
	[dreg:$0x2] =	wrdreg s4  }
0xb8: {  	[dreg:$0x3] =	wrdreg s6  }
0xb9: {  	[dreg:$0x4] =	wrdreg $0xC0  }
0xba: {  	_ =	task [dreg:s22], $0x5FFFF  }
0xbb: {  	[dreg:$0x1] =	wrdreg $0xFFFFFFFF  }
0xbc: {  	[dreg:$0x0] =	wrdreg $0x60  }
0xbd: {  	[dreg:$0x2] =	wrdreg s18  }
0xbe: {  	[dreg:$0x3] =	wrdreg s24  }
0xbf: {  	[dreg:$0x4] =	wrdreg $0xA  }
0xc0: {  	_ =	task.clear_ibuf [dreg:s22], $0x5FFFF;
	_ =	strace $0x90000049  }
0xc1: {  	s29 =	simm.s32 $0xA;
	_ =	strace $0x8000004B  }
0xc2: {  	_ =	swait.ge [sflag:s29], $0x1  }
0xc3: {  	[sflag:s29] =	ssyncadd.s32 $0xFFFFFFFF  }
0xc4: {  	_ =	strace $0x9000004B  }
0xc5: {  	_ =	sfence  }
0xc6: {  	s30 =	sld [smem:$0x0];
	_ =	sdelay $0x2  }
0xc7: {  	s31 =	sshll.u32 s1, $0xD;
	s1 =	sshrl.u32 s1, $0x2  }
0xc8: {  	s4 =	sand.u32 $0x4000, s31;
	s1 =	sadd.s32 s1, s30  }
0xc9: {  	s0 =	sor.u32 s4, s0;
	s1 =	sshll.u32 s1, $0x11  }
0xca: {  	s0 =	sor.u32 s1, s0  }
0xcb: {  	s0 =	sadd.s32 $0x8F2B, s0  }
0xcc: {  	[sflag:s0] =	ssyncadd.remote.s32 $0x1  }
0xcd: {  	_ =	sfence.sel $0xFFFF  }
0xce: {  	[dreg:$0x0] =	wrdreg $0xFFFFFFFF;
	(pc) =	sbr.abs _section_cstart, $3  }
0xcf: {  	[dreg:$0x1] =	wrdreg $0xFFFFFFFF  }
0xd0: {  	_ =	task.clear_ibuf [dreg:s22], $0x2FFFF;
	_ =	strace $0x9FFFFFFF  }
0xd1: {  	(tm) =	ssettm $0x7FFFFFFF  }
tec
execute0_lowered:
.L_overlay_start_1:
0x0: {  	(tag) =	ssettag $0x1  }
0x1: {  	s1 =	srdreg.scid;
	s0 =	stileid.u32  }
0x2: {  	s18 =	sand.u32 $0x1, s1;
	s30 =	sshll.u32 s0, $0x1  }
0x3: {  	s12 =	sor.u32 s18, s30  }
0x4: {  	s3 =	rddreg [dreg:$0x0];
	s4 =	smul.u32 $0xD00, s12  }
0x5: {  	s10 =	rddreg [dreg:$0x1]  }
0x6: {  	s2 =	simm.s32 $0x0;
	s1 =	rddreg [dreg:$0x2];
	s4 =	sshrl.u32 s4, $0x3  }
0x7: {  	[smem:$0x7FF] =	sst s2;
	s3 =	sadd.s32 s3, s4  }
0x8: {  	_ =	strace $0x8000004A;
	s4 =	simm.s32 $0x5;
	s3 =	sadd.s32 $0x3400, s3  }
0x9: {  	[tilespmem:s2], [sflag:$0x5] =	stream.linear.gather [hbm4b:s3+s2], $0xD00, $0x38;
	[tilespmem:$0xDD00] =	vst v63  }
0xa: {  	_ =	swait.ge [sflag:s4], $0xD00  }
0xb: {  	s6 =	simm.s32 $0x340;
	[sflag:s4] =	ssyncset.done $0x0  }
0xc: {  	s7 =	simm.s32 $0xD00;
	s5 =	sadd.s32 $0x1000, s10;
	[sflag:s4] =	ssyncadd.s32 $0xFFFFF300  }
0xd: {  	[tilespmem:s7], [sflag:$0x1] =	stream.indirect.gather [hbm4b:s5+s6], $0x20, s2, s6, $0xb8;
	[tilespmem:$0xDD00] =	vst v63  }
0xe: {  	s8 =	simm.s32 $0x7500;
	s9 =	simm.s32 $0x1  }
0xf: {  	[tilespmem:s8], [sflag:$0x2] =	stream.indirect.gather [hbm4b:s5+s6], $0x20, s6, s6, $0xb8;
	[tilespmem:$0xDD00] =	vst v63  }
0x10: {  	s11 =	smul.u32 $0x3400, s12;
	_ =	swait.ge [sflag:s9], $0x6800  }
0x11: {  	s14 =	sadd.s32 $0xCAC00, s10;
	[sflag:s9] =	ssyncset.done $0x0  }
0x12: {  	s10 =	sadd.s32 s14, s11;
	s11 =	simm.s32 $0x3;
	[sflag:s9] =	ssyncadd.s32 $0xFFFF9800  }
0x13: {  	[hbm4b:s10+s2] =	stream.linear.scatter [tilespmem:s7], [sflag:$0x3], $0x6800, $0x38;
	[tilespmem:$0xDD00] =	vst v63  }
0x14: {  	_ =	swait.ge [sflag:s11], $0x6800  }
0x15: {  	s13 =	simm.s32 $0x2;
	[sflag:s11] =	ssyncset.done $0x0  }
0x16: {  	s15 =	smul.u32 $0x1A000, s12;
	s12 =	simm.s32 $0x680;
	[sflag:s11] =	ssyncadd.s32 $0xFFFF9800  }
0x17: {  	[tilespmem:s7], [sflag:$0x1] =	stream.indirect.gather [hbm4b:s5+s6], $0x20, s12, s6, $0xb8;
	[tilespmem:$0xDD00] =	vst v63  }
0x18: {  	s15 =	sshrl.u32 s15, $0x3;
	_ =	swait.ge [sflag:s13], $0x6800  }
0x19: {  	s19 =	sadd.s32 s14, s15;
	[sflag:s13] =	ssyncset.done $0x0  }
0x1a: {  	s14 =	simm.s32 $0x4;
	s15 =	sadd.s32 $0xD00, s19;
	[sflag:s13] =	ssyncadd.s32 $0xFFFF9800  }
0x1b: {  	[hbm4b:s15+s2] =	stream.linear.scatter [tilespmem:s8], [sflag:$0x4], $0x6800, $0x38;
	[tilespmem:$0xDD00] =	vst v63  }
0x1c: {  	_ =	swait.ge [sflag:s14], $0x6800  }
0x1d: {  	[sflag:s14] =	ssyncset.done $0x0  }
0x1e: {  	s16 =	simm.s32 $0x9C0;
	[sflag:s14] =	ssyncadd.s32 $0xFFFF9800  }
0x1f: {  	[tilespmem:s8], [sflag:$0x2] =	stream.indirect.gather [hbm4b:s5+s6], $0x20, s16, s6, $0xb8;
	[tilespmem:$0xDD00] =	vst v63  }
0x20: {  	_ =	swait.ge [sflag:s9], $0x6800  }
0x21: {  	s20 =	ssub.s32 $0x2, s18;
	[sflag:s9] =	ssyncset.done $0x0  }
0x22: {  	s31 =	sshrl.u32 s20, $0x1;
	s17 =	sadd.s32 $0x1A00, s19;
	[sflag:s9] =	ssyncadd.s32 $0xFFFF9800  }
0x23: {  	[hbm4b:s17+s2] =	stream.linear.scatter [tilespmem:s7], [sflag:$0x3], $0x6800, $0x38;
	[tilespmem:$0xDD00] =	vst v63  }
0x24: {  	s18 =	sadd.s32 $0x2700, s19;
	s19 =	ssub.s32 s20, s31;
	_ =	swait.ge [sflag:s13], $0x6800  }
0x25: {  	s19 =	smax.u32 s19, $0x1;
	[sflag:s13] =	ssyncset.done $0x0  }
0x26: {  	p0 =	sne.s32 s19, $0x1;
	[sflag:s13] =	ssyncadd.s32 $0xFFFF9800  }
0x27: {  	[hbm4b:s18+s2] =	stream.linear.scatter [tilespmem:s8], [sflag:$0x4], $0x6800, $0x38;
	[tilespmem:$0xDD00] =	vst v63  }
.Ltmp0:
0x28: {  	_ =	swait.ge [sflag:s11], $0x6800;
	(pc) =	sbr.rel @!p0 .LBB2_2-.Ltmp0, $4  }
0x29: {  	[sflag:s11] =	ssyncset.done $0x0  }
0x2a: {  	[sflag:s11] =	ssyncadd.s32 $0xFFFF9800  }
0x2b: {  	_ =	swait.ge [sflag:s14], $0x6800  }
0x2c: {  	s19 =	sadd.s32 $0xFFFFFFFF, s19;
	[sflag:s14] =	ssyncset.done $0x0  }
.LBB2_1:
0x2d: {  	p0 =	sne.s32 s19, $0x1;
	s19 =	sadd.s32 $0xFFFFFFFF, s19;
	[sflag:s14] =	ssyncadd.s32 $0xFFFF9800  }
0x2e: {  	[tilespmem:s2], [sflag:$0x5] =	stream.linear.gather [hbm4b:s3+s2], $0xD00, $0x38;
	[tilespmem:$0xDD00] =	vst v63  }
0x2f: {  	_ =	swait.ge [sflag:s4], $0xD00  }
0x30: {  	[sflag:s4] =	ssyncset.done $0x0  }
0x31: {  	[sflag:s4] =	ssyncadd.s32 $0xFFFFF300  }
0x32: {  	[tilespmem:s7], [sflag:$0x1] =	stream.indirect.gather [hbm4b:s5+s6], $0x20, s2, s6, $0xb8;
	[tilespmem:$0xDD00] =	vst v63  }
0x33: {  	_ = 	snop  }
0x34: {  	[tilespmem:s8], [sflag:$0x2] =	stream.indirect.gather [hbm4b:s5+s6], $0x20, s6, s6, $0xb8;
	[tilespmem:$0xDD00] =	vst v63  }
0x35: {  	_ =	swait.ge [sflag:s9], $0x6800  }
0x36: {  	[sflag:s9] =	ssyncset.done $0x0  }
0x37: {  	[sflag:s9] =	ssyncadd.s32 $0xFFFF9800  }
0x38: {  	[hbm4b:s10+s2] =	stream.linear.scatter [tilespmem:s7], [sflag:$0x3], $0x6800, $0x38;
	[tilespmem:$0xDD00] =	vst v63  }
0x39: {  	_ =	swait.ge [sflag:s11], $0x6800  }
0x3a: {  	[sflag:s11] =	ssyncset.done $0x0  }
0x3b: {  	[sflag:s11] =	ssyncadd.s32 $0xFFFF9800  }
0x3c: {  	[tilespmem:s7], [sflag:$0x1] =	stream.indirect.gather [hbm4b:s5+s6], $0x20, s12, s6, $0xb8;
	[tilespmem:$0xDD00] =	vst v63  }
0x3d: {  	_ =	swait.ge [sflag:s13], $0x6800  }
0x3e: {  	[sflag:s13] =	ssyncset.done $0x0  }
0x3f: {  	[sflag:s13] =	ssyncadd.s32 $0xFFFF9800  }
0x40: {  	[hbm4b:s15+s2] =	stream.linear.scatter [tilespmem:s8], [sflag:$0x4], $0x6800, $0x38;
	[tilespmem:$0xDD00] =	vst v63  }
0x41: {  	_ =	swait.ge [sflag:s14], $0x6800  }
0x42: {  	[sflag:s14] =	ssyncset.done $0x0  }
0x43: {  	[sflag:s14] =	ssyncadd.s32 $0xFFFF9800  }
0x44: {  	[tilespmem:s8], [sflag:$0x2] =	stream.indirect.gather [hbm4b:s5+s6], $0x20, s16, s6, $0xb8;
	[tilespmem:$0xDD00] =	vst v63  }
0x45: {  	_ =	swait.ge [sflag:s9], $0x6800  }
0x46: {  	[sflag:s9] =	ssyncset.done $0x0  }
0x47: {  	[sflag:s9] =	ssyncadd.s32 $0xFFFF9800  }
0x48: {  	[hbm4b:s17+s2] =	stream.linear.scatter [tilespmem:s7], [sflag:$0x3], $0x6800, $0x38;
	[tilespmem:$0xDD00] =	vst v63  }
0x49: {  	_ =	swait.ge [sflag:s13], $0x6800  }
0x4a: {  	[sflag:s13] =	ssyncset.done $0x0  }
0x4b: {  	[sflag:s13] =	ssyncadd.s32 $0xFFFF9800  }
0x4c: {  	[hbm4b:s18+s2] =	stream.linear.scatter [tilespmem:s8], [sflag:$0x4], $0x6800, $0x38;
	[tilespmem:$0xDD00] =	vst v63  }
.Ltmp1:
0x4d: {  	_ =	swait.ge [sflag:s11], $0x6800;
	(pc) =	sbr.rel @p0 .LBB2_1-.Ltmp1, $4  }
0x4e: {  	[sflag:s11] =	ssyncset.done $0x0  }
0x4f: {  	[sflag:s11] =	ssyncadd.s32 $0xFFFF9800  }
0x50: {  	_ =	swait.ge [sflag:s14], $0x6800  }
0x51: {  	[sflag:s14] =	ssyncset.done $0x0  }
.LBB2_2:
0x52: {  	[sflag:s14] =	ssyncadd.s32 $0xFFFF9800  }
0x53: {  	_ =	sfence.sel $0x180000  }
0x54: {  	[bflag:$0x0] =	sbarrier.arrive $0xFFFF  }
0x55: {  	p0 =	sne.s32 s0, $0x0;
	_ =	strace $0x9000004A  }
0x56: {  	s0 =	sadd.s32 @!p0 $0x100000, s1;
	[bflag:$0x2] =	sbarrier.arrive $0xFFFF  }
0x57: {  	[sflag:s0] =	ssyncadd.tile.s32 @!p0 $0x1;
	_ =	shalt  }
.Lfunc_end2:
_tile_overlayer_lowered:
.L_overlay_start_2:
0x58: {  	(tag) =	ssettag $0x2  }
0x59: {  	s0 =	rddreg [dreg:$0x0];
	s2 =	stileid.u32  }
0x5a: {  	s1 =	rddreg [dreg:$0x1];
	p0 =	sne.s32 s2, $0x0  }
0x5b: {  	s3 =	rddreg [dreg:$0x2];
	[bflag:$0x3] =	sbarrier.arrive $0xFFFF;
	s2 =	simm.s32 @!p0 $0x1C05  }
0x5c: {  	[timem:s3], [sflag:s2] =	dma.local @!p0 [hbm:s0], s1  }
0x5d: {  	s0 =	simm.s32 @!p0 $0x5  }
0x5e: {  	_ =	swait.ge @!p0 [sflag:s0], s1  }
0x5f: {  	s1 =	ssub.s32 @!p0 $0x0, s1;
	[sflag:s0] =	ssyncset.done @!p0 $0x0  }
0x60: {  	[sflag:s0] =	ssyncadd.s32 @!p0 s1  }
0x61: {  	[bflag:$0x3] =	sbarrier.arrive $0xFFFF  }
0x62: {  	_ =	shalt  }

</sc_bundles>
